<compile_context>
chip_gen: v7x
topology: tpu7x:2x2x1
jax: 0.10.2.dev20260603
libtpu: 0.0.44.dev20260713+nightly
codegen_flags: <defaults>
</compile_context>

<pallas_src>
import functools

import jax
import jax.numpy as jnp
from jax import lax
from jax.experimental import pallas as pl
from jax.experimental.pallas import tpu as pltpu
from jax.experimental.pallas import tpu_sc as plsc

NUM_K = 8192
DIM = 32
N_TOTAL = 16384
BN = 256
KC = 2048
NC = 2
NS = 16
NW = NC * NS
ROWS_W = N_TOTAL // NW
HSLICE = NUM_K // NS


def _argmin_body(x_ref, w_ref, idx_ref):
    x = x_ref[...]
    xsq = jnp.sum(x * x, axis=1, keepdims=True)
    best_val = None
    best_idx = None
    for c in range(NUM_K // KC):
        wc = w_ref[pl.ds(c * KC, KC), :]
        wsq = jnp.sum(wc * wc, axis=1)
        mm = lax.dot_general(
            x.astype(jnp.bfloat16), wc.astype(jnp.bfloat16),
            (((1,), (1,)), ((), ())),
            preferred_element_type=jnp.float32)
        dist = (xsq + wsq[None, :]) - 2.0 * mm
        m = jnp.min(dist, axis=1)
        iota = lax.broadcasted_iota(jnp.int32, (BN, KC), 1) + c * KC
        am = jnp.min(
            jnp.where(dist == m[:, None], iota, jnp.int32(2 ** 30)), axis=1)
        if c == 0:
            best_val, best_idx = m, am
        else:
            best_idx = jnp.where(m < best_val, am, best_idx)
            best_val = jnp.minimum(best_val, m)
        if c % 2 == 1:
            u = lax.bitcast_convert_type(best_val, jnp.uint32)
            u = (u + jnp.uint32(0x7FFF) + ((u >> 16) & jnp.uint32(1))) \
                & jnp.uint32(0xFFFF0000)
            best_val = lax.bitcast_convert_type(u, jnp.float32)
    idx_ref[...] = best_idx


def _argmin_call(x2d, weight):
    return pl.pallas_call(
        _argmin_body,
        grid=(N_TOTAL // BN,),
        in_specs=[
            pl.BlockSpec((BN, DIM), lambda i: (i, 0)),
            pl.BlockSpec((NUM_K, DIM), lambda i: (0, 0)),
        ],
        out_specs=pl.BlockSpec((BN,), lambda i: (i,)),
        out_shape=jax.ShapeDtypeStruct((N_TOTAL,), jnp.int32),
    )(x2d, weight)


def _sc_body(w_hbm, idx_hbm, q_hbm, hist_hbm,
             idx_v, rows_v, ones_v, buf_v, shared_hist, sem):
    cid = lax.axis_index("c")
    sid = lax.axis_index("s")
    wid = sid * NC + cid
    base = wid * ROWS_W

    zero16 = jnp.zeros((16,), jnp.float32)
    for i in range(HSLICE // 16):
        buf_v[pl.ds(i * 16, 16)] = zero16
    pltpu.sync_copy(buf_v, shared_hist.at[pl.ds(sid * HSLICE, HSLICE)])

    pltpu.sync_copy(idx_hbm.at[pl.ds(base, ROWS_W)], idx_v)
    pltpu.async_copy(w_hbm.at[idx_v], rows_v, sem).wait()
    pltpu.sync_copy(rows_v, q_hbm.at[pl.ds(base, ROWS_W)])

    one16 = jnp.full((16,), 1.0, jnp.float32)
    for i in range(ROWS_W // 16):
        ones_v[pl.ds(i * 16, 16)] = one16
    plsc.subcore_barrier()
    pltpu.sync_copy(ones_v, shared_hist.at[idx_v], add=True)
    plsc.subcore_barrier()

    pltpu.sync_copy(shared_hist.at[pl.ds(sid * HSLICE, HSLICE)], buf_v)
    pltpu.sync_copy(buf_v, hist_hbm.at[pl.ds(cid * NUM_K + sid * HSLICE, HSLICE)])


@jax.jit
def _sc_call(weight, idx):
    mesh = plsc.VectorSubcoreMesh(core_axis_name="c", subcore_axis_name="s")
    return pl.kernel(
        _sc_body,
        out_type=(
            jax.ShapeDtypeStruct((N_TOTAL, DIM), jnp.float32),
            jax.ShapeDtypeStruct((NC * NUM_K,), jnp.float32),
        ),
        mesh=mesh,
        scratch_types=[
            pltpu.VMEM((ROWS_W,), jnp.int32),
            pltpu.VMEM((ROWS_W, DIM), jnp.float32),
            pltpu.VMEM((ROWS_W,), jnp.float32),
            pltpu.VMEM((HSLICE,), jnp.float32),
            pltpu.VMEM_SHARED((NUM_K,), jnp.float32),
            pltpu.SemaphoreType.DMA,
        ],
        compiler_params=pltpu.CompilerParams(use_tc_tiling_on_sc=False),
    )(weight, idx)


N_TILES_C = 16
BN_C = N_TOTAL // N_TILES_C


BF_C = N_TOTAL * DIM // N_TILES_C


def _finish_body(x_ref, q_ref, hist_ref, qst_ref, loss_ref, perp_ref, acc_ref):
    i = pl.program_id(0)
    x = x_ref[...]
    q = q_ref[...]
    d = q - x
    qst_ref[...] = x + d
    part = jnp.sum(d * d)

    @pl.when(i == 0)
    def _():
        acc_ref[0] = part

    @pl.when(i > 0)
    def _():
        acc_ref[0] = acc_ref[0] + part

    @pl.when(i == N_TILES_C - 1)
    def _():
        m = acc_ref[0] * (1.0 / (N_TOTAL * DIM))
        loss_ref[...] = jnp.broadcast_to(m + 0.25 * m, (1, 1))
        hist = hist_ref[...]
        p = (hist[0:NUM_K] + hist[NUM_K:2 * NUM_K]) * (1.0 / N_TOTAL)
        ent = jnp.sum(p * jnp.log(p + 1e-10))
        perp_ref[...] = jnp.broadcast_to(jnp.exp(-ent), (1, 1))


def _finish_call(x_flat, q_flat, hist_flat):
    return pl.pallas_call(
        _finish_body,
        grid=(N_TILES_C,),
        in_specs=[
            pl.BlockSpec((BF_C,), lambda i: (i,)),
            pl.BlockSpec((BF_C,), lambda i: (i,)),
            pl.BlockSpec((NC * NUM_K,), lambda i: (0,)),
        ],
        out_specs=[
            pl.BlockSpec((BF_C,), lambda i: (i,)),
            pl.BlockSpec((1, 1), lambda i: (0, 0)),
            pl.BlockSpec((1, 1), lambda i: (0, 0)),
        ],
        out_shape=[
            jax.ShapeDtypeStruct((N_TOTAL * DIM,), jnp.float32),
            jax.ShapeDtypeStruct((1, 1), jnp.float32),
            jax.ShapeDtypeStruct((1, 1), jnp.float32),
        ],
        scratch_shapes=[pltpu.SMEM((1,), jnp.float32)],
    )(x_flat, q_flat, hist_flat)


def kernel(inputs, weight):
    x2d = inputs.reshape(N_TOTAL, DIM)
    idx = _argmin_call(x2d, weight)
    q2d, hist_flat = _sc_call(weight, idx)
    qst_flat, loss, perp = _finish_call(
        inputs.reshape(-1), q2d.reshape(-1), hist_flat)
    return (qst_flat.reshape(inputs.shape), loss[0, 0], perp[0, 0])

# --- scband reference (transcript-rebuilt; emitter-appended) ---
"""Pipeline reference for scband-vector-quantizer-3169685864681 (READ-ONLY COPY).

The authoritative reference and input builder live on the scoring server;
editing this copy changes nothing except your own understanding.
"""

import jax, jax.numpy as jnp
import numpy as np

NUM_EMBEDDINGS = 8192
EMBEDDING_DIM = 32
COMMITMENT_COST = 0.25


def setup_inputs(seed: int = 0) -> dict:
    key = jax.random.key(seed)
    k1, k2 = jax.random.split(key)
    inputs = jax.random.normal(k1, (16, 1024, 32), dtype=jnp.float32)
    # embedding weight initialized uniform(-1/K, 1/K) as in the torch module
    weight = jax.random.uniform(
        k2, (NUM_EMBEDDINGS, EMBEDDING_DIM), dtype=jnp.float32,
        minval=-1.0 / NUM_EMBEDDINGS, maxval=1.0 / NUM_EMBEDDINGS)
    return {"inputs": inputs, "weight": weight}


def reference(inputs, weight):
    inputs_flattened = inputs.reshape(-1, EMBEDDING_DIM)
    distances = (
        jnp.sum(inputs_flattened ** 2, axis=1, keepdims=True)
        + jnp.sum(weight ** 2, axis=1)
        - 2.0 * jnp.matmul(inputs_flattened, weight.T)
    )
    encoding_indices = jnp.argmin(distances, axis=1)
    encodings = jax.nn.one_hot(encoding_indices, NUM_EMBEDDINGS, dtype=inputs.dtype)
    quantized = jnp.matmul(encodings, weight).reshape(inputs.shape)
    e_latent_loss = jnp.mean((jax.lax.stop_gradient(quantized) - inputs) ** 2)
    q_latent_loss = jnp.mean((quantized - jax.lax.stop_gradient(inputs)) ** 2)
    loss = q_latent_loss + COMMITMENT_COST * e_latent_loss
    quantized_st = inputs + jax.lax.stop_gradient(quantized - inputs)
    avg_probs = jnp.mean(encodings, axis=0)
    perplexity = jnp.exp(-jnp.sum(avg_probs * jnp.log(avg_probs + 1e-10)))
    return (quantized_st, loss, perplexity)

if __name__ == "__main__":
    import jax
    _d = setup_inputs()
    print(jax.jit(kernel)(*tuple(_d.values())))

</pallas_src>

<mosaic_0001>
#map = affine_map<(d0, d1) -> (0, 0)>
#map1 = affine_map<(d0, d1) -> (0)>
module attributes {stable_mosaic.version = 14 : i64} {
  func.func @_sc_body(%arg0: i32, %arg1: i32, %arg2: memref<8192x32xf32, #tpu.memory_space<hbm>>, %arg3: memref<16384xi32, #tpu.memory_space<hbm>>, %arg4: memref<16384x32xf32, #tpu.memory_space<hbm>>, %arg5: memref<16384xf32, #tpu.memory_space<hbm>>, %arg6: memref<512xi32, #tpu.memory_space<vmem>>, %arg7: memref<512x32xf32, #tpu.memory_space<vmem>>, %arg8: memref<512xf32, #tpu.memory_space<vmem>>, %arg9: memref<512xf32, #tpu.memory_space<vmem>>, %arg10: memref<8192xf32, #tpu.memory_space<vmem_shared>>, %arg11: memref<!tpu.dma_semaphore, #tpu.memory_space<semaphore_mem>>) attributes {dimension_semantics = [#tpu.dimension_semantics<core_parallel>, #tpu.dimension_semantics<subcore_parallel>], iteration_bounds = array<i64: 2, 16>, scalar_prefetch = 0 : i64, scratch_operands = 6 : i64, tpu.core_type = #tpu.core_type<sc_vector_subcore>, window_params = [{transform_indices = #map}, {transform_indices = #map1}, {transform_indices = #map}, {transform_indices = #map1}]} {
    %mul3A = arith.constant 2 : i32
    %mul3A_0 = arith.muli %arg1, %mul3A : i32
    %add3A = arith.addi %mul3A_0, %arg0 : i32
    %mul3A_1 = arith.constant 512 : i32
    %mul3A_2 = arith.muli %add3A, %mul3A_1 : i32
    %broadcast_in_dim3A = arith.constant 0.000000e+00 : f32
    %broadcast_in_dim3A_3 = vector.broadcast %broadcast_in_dim3A : f32 to vector<16xf32>
    %swap3A = arith.constant 0 : index
    %swap3A_4 = tpu.vector_load %arg9[%swap3A] {strides = array<i32>} : memref<512xf32, #tpu.memory_space<vmem>>, vector<16xf32>,
    %swap3A_5 = vector.shape_cast %swap3A_4 : vector<16xf32> to vector<16xf32>
    %swap3A_6 = vector.shape_cast %broadcast_in_dim3A_3 : vector<16xf32> to vector<16xf32>
    tpu.vector_store %arg9[%swap3A], %swap3A_6 {strides = array<i32>} : memref<512xf32, #tpu.memory_space<vmem>>, vector<16xf32>,
    %swap3A_7 = arith.constant 16 : index
    %swap3A_8 = tpu.vector_load %arg9[%swap3A_7] {strides = array<i32>} : memref<512xf32, #tpu.memory_space<vmem>>, vector<16xf32>,
    %swap3A_9 = vector.shape_cast %swap3A_8 : vector<16xf32> to vector<16xf32>
    %swap3A_10 = vector.shape_cast %broadcast_in_dim3A_3 : vector<16xf32> to vector<16xf32>
    tpu.vector_store %arg9[%swap3A_7], %swap3A_10 {strides = array<i32>} : memref<512xf32, #tpu.memory_space<vmem>>, vector<16xf32>,
    %swap3A_11 = arith.constant 32 : index
    %swap3A_12 = tpu.vector_load %arg9[%swap3A_11] {strides = array<i32>} : memref<512xf32, #tpu.memory_space<vmem>>, vector<16xf32>,
    %swap3A_13 = vector.shape_cast %swap3A_12 : vector<16xf32> to vector<16xf32>
    %swap3A_14 = vector.shape_cast %broadcast_in_dim3A_3 : vector<16xf32> to vector<16xf32>
    tpu.vector_store %arg9[%swap3A_11], %swap3A_14 {strides = array<i32>} : memref<512xf32, #tpu.memory_space<vmem>>, vector<16xf32>,
    %swap3A_15 = arith.constant 48 : index
    %swap3A_16 = tpu.vector_load %arg9[%swap3A_15] {strides = array<i32>} : memref<512xf32, #tpu.memory_space<vmem>>, vector<16xf32>,
    %swap3A_17 = vector.shape_cast %swap3A_16 : vector<16xf32> to vector<16xf32>
    %swap3A_18 = vector.shape_cast %broadcast_in_dim3A_3 : vector<16xf32> to vector<16xf32>
    tpu.vector_store %arg9[%swap3A_15], %swap3A_18 {strides = array<i32>} : memref<512xf32, #tpu.memory_space<vmem>>, vector<16xf32>,
    %swap3A_19 = arith.constant 64 : index
    %swap3A_20 = tpu.vector_load %arg9[%swap3A_19] {strides = array<i32>} : memref<512xf32, #tpu.memory_space<vmem>>, vector<16xf32>,
    %swap3A_21 = vector.shape_cast %swap3A_20 : vector<16xf32> to vector<16xf32>
    %swap3A_22 = vector.shape_cast %broadcast_in_dim3A_3 : vector<16xf32> to vector<16xf32>
    tpu.vector_store %arg9[%swap3A_19], %swap3A_22 {strides = array<i32>} : memref<512xf32, #tpu.memory_space<vmem>>, vector<16xf32>,
    %swap3A_23 = arith.constant 80 : index
    %swap3A_24 = tpu.vector_load %arg9[%swap3A_23] {strides = array<i32>} : memref<512xf32, #tpu.memory_space<vmem>>, vector<16xf32>,
    %swap3A_25 = vector.shape_cast %swap3A_24 : vector<16xf32> to vector<16xf32>
    %swap3A_26 = vector.shape_cast %broadcast_in_dim3A_3 : vector<16xf32> to vector<16xf32>
    tpu.vector_store %arg9[%swap3A_23], %swap3A_26 {strides = array<i32>} : memref<512xf32, #tpu.memory_space<vmem>>, vector<16xf32>,
    %swap3A_27 = arith.constant 96 : index
    %swap3A_28 = tpu.vector_load %arg9[%swap3A_27] {strides = array<i32>} : memref<512xf32, #tpu.memory_space<vmem>>, vector<16xf32>,
    %swap3A_29 = vector.shape_cast %swap3A_28 : vector<16xf32> to vector<16xf32>
    %swap3A_30 = vector.shape_cast %broadcast_in_dim3A_3 : vector<16xf32> to vector<16xf32>
    tpu.vector_store %arg9[%swap3A_27], %swap3A_30 {strides = array<i32>} : memref<512xf32, #tpu.memory_space<vmem>>, vector<16xf32>,
    %swap3A_31 = arith.constant 112 : index
    %swap3A_32 = tpu.vector_load %arg9[%swap3A_31] {strides = array<i32>} : memref<512xf32, #tpu.memory_space<vmem>>, vector<16xf32>,
    %swap3A_33 = vector.shape_cast %swap3A_32 : vector<16xf32> to vector<16xf32>
    %swap3A_34 = vector.shape_cast %broadcast_in_dim3A_3 : vector<16xf32> to vector<16xf32>
    tpu.vector_store %arg9[%swap3A_31], %swap3A_34 {strides = array<i32>} : memref<512xf32, #tpu.memory_space<vmem>>, vector<16xf32>,
    %swap3A_35 = arith.constant 128 : index
    %swap3A_36 = tpu.vector_load %arg9[%swap3A_35] {strides = array<i32>} : memref<512xf32, #tpu.memory_space<vmem>>, vector<16xf32>,
    %swap3A_37 = vector.shape_cast %swap3A_36 : vector<16xf32> to vector<16xf32>
    %swap3A_38 = vector.shape_cast %broadcast_in_dim3A_3 : vector<16xf32> to vector<16xf32>
    tpu.vector_store %arg9[%swap3A_35], %swap3A_38 {strides = array<i32>} : memref<512xf32, #tpu.memory_space<vmem>>, vector<16xf32>,
    %swap3A_39 = arith.constant 144 : index
    %swap3A_40 = tpu.vector_load %arg9[%swap3A_39] {strides = array<i32>} : memref<512xf32, #tpu.memory_space<vmem>>, vector<16xf32>,
    %swap3A_41 = vector.shape_cast %swap3A_40 : vector<16xf32> to vector<16xf32>
    %swap3A_42 = vector.shape_cast %broadcast_in_dim3A_3 : vector<16xf32> to vector<16xf32>
    tpu.vector_store %arg9[%swap3A_39], %swap3A_42 {strides = array<i32>} : memref<512xf32, #tpu.memory_space<vmem>>, vector<16xf32>,
    %swap3A_43 = arith.constant 160 : index
    %swap3A_44 = tpu.vector_load %arg9[%swap3A_43] {strides = array<i32>} : memref<512xf32, #tpu.memory_space<vmem>>, vector<16xf32>,
    %swap3A_45 = vector.shape_cast %swap3A_44 : vector<16xf32> to vector<16xf32>
    %swap3A_46 = vector.shape_cast %broadcast_in_dim3A_3 : vector<16xf32> to vector<16xf32>
    tpu.vector_store %arg9[%swap3A_43], %swap3A_46 {strides = array<i32>} : memref<512xf32, #tpu.memory_space<vmem>>, vector<16xf32>,
    %swap3A_47 = arith.constant 176 : index
    %swap3A_48 = tpu.vector_load %arg9[%swap3A_47] {strides = array<i32>} : memref<512xf32, #tpu.memory_space<vmem>>, vector<16xf32>,
    %swap3A_49 = vector.shape_cast %swap3A_48 : vector<16xf32> to vector<16xf32>
    %swap3A_50 = vector.shape_cast %broadcast_in_dim3A_3 : vector<16xf32> to vector<16xf32>
    tpu.vector_store %arg9[%swap3A_47], %swap3A_50 {strides = array<i32>} : memref<512xf32, #tpu.memory_space<vmem>>, vector<16xf32>,
    %swap3A_51 = arith.constant 192 : index
    %swap3A_52 = tpu.vector_load %arg9[%swap3A_51] {strides = array<i32>} : memref<512xf32, #tpu.memory_space<vmem>>, vector<16xf32>,
    %swap3A_53 = vector.shape_cast %swap3A_52 : vector<16xf32> to vector<16xf32>
    %swap3A_54 = vector.shape_cast %broadcast_in_dim3A_3 : vector<16xf32> to vector<16xf32>
    tpu.vector_store %arg9[%swap3A_51], %swap3A_54 {strides = array<i32>} : memref<512xf32, #tpu.memory_space<vmem>>, vector<16xf32>,
    %swap3A_55 = arith.constant 208 : index
    %swap3A_56 = tpu.vector_load %arg9[%swap3A_55] {strides = array<i32>} : memref<512xf32, #tpu.memory_space<vmem>>, vector<16xf32>,
    %swap3A_57 = vector.shape_cast %swap3A_56 : vector<16xf32> to vector<16xf32>
    %swap3A_58 = vector.shape_cast %broadcast_in_dim3A_3 : vector<16xf32> to vector<16xf32>
    tpu.vector_store %arg9[%swap3A_55], %swap3A_58 {strides = array<i32>} : memref<512xf32, #tpu.memory_space<vmem>>, vector<16xf32>,
    %swap3A_59 = arith.constant 224 : index
    %swap3A_60 = tpu.vector_load %arg9[%swap3A_59] {strides = array<i32>} : memref<512xf32, #tpu.memory_space<vmem>>, vector<16xf32>,
    %swap3A_61 = vector.shape_cast %swap3A_60 : vector<16xf32> to vector<16xf32>
    %swap3A_62 = vector.shape_cast %broadcast_in_dim3A_3 : vector<16xf32> to vector<16xf32>
    tpu.vector_store %arg9[%swap3A_59], %swap3A_62 {strides = array<i32>} : memref<512xf32, #tpu.memory_space<vmem>>, vector<16xf32>,
    %swap3A_63 = arith.constant 240 : index
    %swap3A_64 = tpu.vector_load %arg9[%swap3A_63] {strides = array<i32>} : memref<512xf32, #tpu.memory_space<vmem>>, vector<16xf32>,
    %swap3A_65 = vector.shape_cast %swap3A_64 : vector<16xf32> to vector<16xf32>
    %swap3A_66 = vector.shape_cast %broadcast_in_dim3A_3 : vector<16xf32> to vector<16xf32>
    tpu.vector_store %arg9[%swap3A_63], %swap3A_66 {strides = array<i32>} : memref<512xf32, #tpu.memory_space<vmem>>, vector<16xf32>,
    %swap3A_67 = arith.constant 256 : index
    %swap3A_68 = tpu.vector_load %arg9[%swap3A_67] {strides = array<i32>} : memref<512xf32, #tpu.memory_space<vmem>>, vector<16xf32>,
    %swap3A_69 = vector.shape_cast %swap3A_68 : vector<16xf32> to vector<16xf32>
    %swap3A_70 = vector.shape_cast %broadcast_in_dim3A_3 : vector<16xf32> to vector<16xf32>
    tpu.vector_store %arg9[%swap3A_67], %swap3A_70 {strides = array<i32>} : memref<512xf32, #tpu.memory_space<vmem>>, vector<16xf32>,
    %swap3A_71 = arith.constant 272 : index
    %swap3A_72 = tpu.vector_load %arg9[%swap3A_71] {strides = array<i32>} : memref<512xf32, #tpu.memory_space<vmem>>, vector<16xf32>,
    %swap3A_73 = vector.shape_cast %swap3A_72 : vector<16xf32> to vector<16xf32>
    %swap3A_74 = vector.shape_cast %broadcast_in_dim3A_3 : vector<16xf32> to vector<16xf32>
    tpu.vector_store %arg9[%swap3A_71], %swap3A_74 {strides = array<i32>} : memref<512xf32, #tpu.memory_space<vmem>>, vector<16xf32>,
    %swap3A_75 = arith.constant 288 : index
    %swap3A_76 = tpu.vector_load %arg9[%swap3A_75] {strides = array<i32>} : memref<512xf32, #tpu.memory_space<vmem>>, vector<16xf32>,
    %swap3A_77 = vector.shape_cast %swap3A_76 : vector<16xf32> to vector<16xf32>
    %swap3A_78 = vector.shape_cast %broadcast_in_dim3A_3 : vector<16xf32> to vector<16xf32>
    tpu.vector_store %arg9[%swap3A_75], %swap3A_78 {strides = array<i32>} : memref<512xf32, #tpu.memory_space<vmem>>, vector<16xf32>,
    %swap3A_79 = arith.constant 304 : index
    %swap3A_80 = tpu.vector_load %arg9[%swap3A_79] {strides = array<i32>} : memref<512xf32, #tpu.memory_space<vmem>>, vector<16xf32>,
    %swap3A_81 = vector.shape_cast %swap3A_80 : vector<16xf32> to vector<16xf32>
    %swap3A_82 = vector.shape_cast %broadcast_in_dim3A_3 : vector<16xf32> to vector<16xf32>
    tpu.vector_store %arg9[%swap3A_79], %swap3A_82 {strides = array<i32>} : memref<512xf32, #tpu.memory_space<vmem>>, vector<16xf32>,
    %swap3A_83 = arith.constant 320 : index
    %swap3A_84 = tpu.vector_load %arg9[%swap3A_83] {strides = array<i32>} : memref<512xf32, #tpu.memory_space<vmem>>, vector<16xf32>,
    %swap3A_85 = vector.shape_cast %swap3A_84 : vector<16xf32> to vector<16xf32>
    %swap3A_86 = vector.shape_cast %broadcast_in_dim3A_3 : vector<16xf32> to vector<16xf32>
    tpu.vector_store %arg9[%swap3A_83], %swap3A_86 {strides = array<i32>} : memref<512xf32, #tpu.memory_space<vmem>>, vector<16xf32>,
    %swap3A_87 = arith.constant 336 : index
    %swap3A_88 = tpu.vector_load %arg9[%swap3A_87] {strides = array<i32>} : memref<512xf32, #tpu.memory_space<vmem>>, vector<16xf32>,
    %swap3A_89 = vector.shape_cast %swap3A_88 : vector<16xf32> to vector<16xf32>
    %swap3A_90 = vector.shape_cast %broadcast_in_dim3A_3 : vector<16xf32> to vector<16xf32>
    tpu.vector_store %arg9[%swap3A_87], %swap3A_90 {strides = array<i32>} : memref<512xf32, #tpu.memory_space<vmem>>, vector<16xf32>,
    %swap3A_91 = arith.constant 352 : index
    %swap3A_92 = tpu.vector_load %arg9[%swap3A_91] {strides = array<i32>} : memref<512xf32, #tpu.memory_space<vmem>>, vector<16xf32>,
    %swap3A_93 = vector.shape_cast %swap3A_92 : vector<16xf32> to vector<16xf32>
    %swap3A_94 = vector.shape_cast %broadcast_in_dim3A_3 : vector<16xf32> to vector<16xf32>
    tpu.vector_store %arg9[%swap3A_91], %swap3A_94 {strides = array<i32>} : memref<512xf32, #tpu.memory_space<vmem>>, vector<16xf32>,
    %swap3A_95 = arith.constant 368 : index
    %swap3A_96 = tpu.vector_load %arg9[%swap3A_95] {strides = array<i32>} : memref<512xf32, #tpu.memory_space<vmem>>, vector<16xf32>,
    %swap3A_97 = vector.shape_cast %swap3A_96 : vector<16xf32> to vector<16xf32>
    %swap3A_98 = vector.shape_cast %broadcast_in_dim3A_3 : vector<16xf32> to vector<16xf32>
    tpu.vector_store %arg9[%swap3A_95], %swap3A_98 {strides = array<i32>} : memref<512xf32, #tpu.memory_space<vmem>>, vector<16xf32>,
    %swap3A_99 = arith.constant 384 : index
    %swap3A_100 = tpu.vector_load %arg9[%swap3A_99] {strides = array<i32>} : memref<512xf32, #tpu.memory_space<vmem>>, vector<16xf32>,
    %swap3A_101 = vector.shape_cast %swap3A_100 : vector<16xf32> to vector<16xf32>
    %swap3A_102 = vector.shape_cast %broadcast_in_dim3A_3 : vector<16xf32> to vector<16xf32>
    tpu.vector_store %arg9[%swap3A_99], %swap3A_102 {strides = array<i32>} : memref<512xf32, #tpu.memory_space<vmem>>, vector<16xf32>,
    %swap3A_103 = arith.constant 400 : index
    %swap3A_104 = tpu.vector_load %arg9[%swap3A_103] {strides = array<i32>} : memref<512xf32, #tpu.memory_space<vmem>>, vector<16xf32>,
    %swap3A_105 = vector.shape_cast %swap3A_104 : vector<16xf32> to vector<16xf32>
    %swap3A_106 = vector.shape_cast %broadcast_in_dim3A_3 : vector<16xf32> to vector<16xf32>
    tpu.vector_store %arg9[%swap3A_103], %swap3A_106 {strides = array<i32>} : memref<512xf32, #tpu.memory_space<vmem>>, vector<16xf32>,
    %swap3A_107 = arith.constant 416 : index
    %swap3A_108 = tpu.vector_load %arg9[%swap3A_107] {strides = array<i32>} : memref<512xf32, #tpu.memory_space<vmem>>, vector<16xf32>,
    %swap3A_109 = vector.shape_cast %swap3A_108 : vector<16xf32> to vector<16xf32>
    %swap3A_110 = vector.shape_cast %broadcast_in_dim3A_3 : vector<16xf32> to vector<16xf32>
    tpu.vector_store %arg9[%swap3A_107], %swap3A_110 {strides = array<i32>} : memref<512xf32, #tpu.memory_space<vmem>>, vector<16xf32>,
    %swap3A_111 = arith.constant 432 : index
    %swap3A_112 = tpu.vector_load %arg9[%swap3A_111] {strides = array<i32>} : memref<512xf32, #tpu.memory_space<vmem>>, vector<16xf32>,
    %swap3A_113 = vector.shape_cast %swap3A_112 : vector<16xf32> to vector<16xf32>
    %swap3A_114 = vector.shape_cast %broadcast_in_dim3A_3 : vector<16xf32> to vector<16xf32>
    tpu.vector_store %arg9[%swap3A_111], %swap3A_114 {strides = array<i32>} : memref<512xf32, #tpu.memory_space<vmem>>, vector<16xf32>,
    %swap3A_115 = arith.constant 448 : index
    %swap3A_116 = tpu.vector_load %arg9[%swap3A_115] {strides = array<i32>} : memref<512xf32, #tpu.memory_space<vmem>>, vector<16xf32>,
    %swap3A_117 = vector.shape_cast %swap3A_116 : vector<16xf32> to vector<16xf32>
    %swap3A_118 = vector.shape_cast %broadcast_in_dim3A_3 : vector<16xf32> to vector<16xf32>
    tpu.vector_store %arg9[%swap3A_115], %swap3A_118 {strides = array<i32>} : memref<512xf32, #tpu.memory_space<vmem>>, vector<16xf32>,
    %swap3A_119 = arith.constant 464 : index
    %swap3A_120 = tpu.vector_load %arg9[%swap3A_119] {strides = array<i32>} : memref<512xf32, #tpu.memory_space<vmem>>, vector<16xf32>,
    %swap3A_121 = vector.shape_cast %swap3A_120 : vector<16xf32> to vector<16xf32>
    %swap3A_122 = vector.shape_cast %broadcast_in_dim3A_3 : vector<16xf32> to vector<16xf32>
    tpu.vector_store %arg9[%swap3A_119], %swap3A_122 {strides = array<i32>} : memref<512xf32, #tpu.memory_space<vmem>>, vector<16xf32>,
    %swap3A_123 = arith.constant 480 : index
    %swap3A_124 = tpu.vector_load %arg9[%swap3A_123] {strides = array<i32>} : memref<512xf32, #tpu.memory_space<vmem>>, vector<16xf32>,
    %swap3A_125 = vector.shape_cast %swap3A_124 : vector<16xf32> to vector<16xf32>
    %swap3A_126 = vector.shape_cast %broadcast_in_dim3A_3 : vector<16xf32> to vector<16xf32>
    tpu.vector_store %arg9[%swap3A_123], %swap3A_126 {strides = array<i32>} : memref<512xf32, #tpu.memory_space<vmem>>, vector<16xf32>,
    %swap3A_127 = arith.constant 496 : index
    %swap3A_128 = tpu.vector_load %arg9[%swap3A_127] {strides = array<i32>} : memref<512xf32, #tpu.memory_space<vmem>>, vector<16xf32>,
    %swap3A_129 = vector.shape_cast %swap3A_128 : vector<16xf32> to vector<16xf32>
    %swap3A_130 = vector.shape_cast %broadcast_in_dim3A_3 : vector<16xf32> to vector<16xf32>
    tpu.vector_store %arg9[%swap3A_127], %swap3A_130 {strides = array<i32>} : memref<512xf32, #tpu.memory_space<vmem>>, vector<16xf32>,
    %mul3A_131 = arith.constant 512 : i32
    %mul3A_132 = arith.muli %arg1, %mul3A_131 : i32
    "tpu.region"() ({
      %run_scoped3A = tpu.sem_alloc : memref<!tpu.dma_semaphore, #tpu.memory_space<semaphore_mem>>
      %dma_start3A_275 = tpu.memref_slice %arg10[%mul3A_132] : memref<8192xf32, #tpu.memory_space<vmem_shared>> -> memref<512xf32, #tpu.memory_space<vmem_shared>>
      %dma_start3A_276 = tpu.memref_slice %arg10[%mul3A_132] : memref<8192xf32, #tpu.memory_space<vmem_shared>> -> memref<512xf32, #tpu.memory_space<vmem_shared>>
      tpu.enqueue_dma source(%arg9 : memref<512xf32, #tpu.memory_space<vmem>>) target(%dma_start3A_276 : memref<512xf32, #tpu.memory_space<vmem_shared>>) target_semaphore(%run_scoped3A : memref<!tpu.dma_semaphore, #tpu.memory_space<semaphore_mem>>)
      %dma_wait3A_277 = tpu.memref_slice %arg10[%mul3A_132] : memref<8192xf32, #tpu.memory_space<vmem_shared>> -> memref<512xf32, #tpu.memory_space<vmem_shared>>
      %dma_wait3A_278 = tpu.memref_slice %arg10[%mul3A_132] : memref<8192xf32, #tpu.memory_space<vmem_shared>> -> memref<512xf32, #tpu.memory_space<vmem_shared>>
      tpu.wait_dma2 semaphore(%run_scoped3A : memref<!tpu.dma_semaphore, #tpu.memory_space<semaphore_mem>>) src(%arg9 : memref<512xf32, #tpu.memory_space<vmem>>) dst(%dma_wait3A_278 : memref<512xf32, #tpu.memory_space<vmem_shared>>)
      tpu.yield
    }) : () -> ()
    "tpu.region"() ({
      %run_scoped3A = tpu.sem_alloc : memref<!tpu.dma_semaphore, #tpu.memory_space<semaphore_mem>>
      %dma_start3A_275 = tpu.memref_slice %arg3[%mul3A_2] : memref<16384xi32, #tpu.memory_space<hbm>> -> memref<512xi32, #tpu.memory_space<hbm>>
      %dma_start3A_276 = tpu.memref_slice %arg3[%mul3A_2] : memref<16384xi32, #tpu.memory_space<hbm>> -> memref<512xi32, #tpu.memory_space<hbm>>
      tpu.enqueue_dma source(%dma_start3A_276 : memref<512xi32, #tpu.memory_space<hbm>>) target(%arg6 : memref<512xi32, #tpu.memory_space<vmem>>) target_semaphore(%run_scoped3A : memref<!tpu.dma_semaphore, #tpu.memory_space<semaphore_mem>>)
      %dma_wait3A_277 = tpu.memref_slice %arg3[%mul3A_2] : memref<16384xi32, #tpu.memory_space<hbm>> -> memref<512xi32, #tpu.memory_space<hbm>>
      %dma_wait3A_278 = tpu.memref_slice %arg3[%mul3A_2] : memref<16384xi32, #tpu.memory_space<hbm>> -> memref<512xi32, #tpu.memory_space<hbm>>
      tpu.wait_dma2 semaphore(%run_scoped3A : memref<!tpu.dma_semaphore, #tpu.memory_space<semaphore_mem>>) src(%dma_wait3A_278 : memref<512xi32, #tpu.memory_space<hbm>>) dst(%arg6 : memref<512xi32, #tpu.memory_space<vmem>>)
      tpu.yield
    }) : () -> ()
    %dma_start3A = arith.constant 0 : i32
    %dma_start3A_133 = arith.constant 0 : i32
    %dma_start3A_134 = tpu.memref_slice %arg2[%dma_start3A, %dma_start3A_133] : memref<8192x32xf32, #tpu.memory_space<hbm>> -> memref<8192x32xf32, #tpu.memory_space<hbm>>
    tpu.enqueue_indirect_dma source(%dma_start3A_134 : memref<8192x32xf32, #tpu.memory_space<hbm>>) target(%arg7 : memref<512x32xf32, #tpu.memory_space<vmem>>) offsets(%arg6 : memref<512xi32, #tpu.memory_space<vmem>>) semaphore(%arg11 : memref<!tpu.dma_semaphore, #tpu.memory_space<semaphore_mem>>)
    %dma_wait3A = arith.constant 0 : i32
    %dma_wait3A_135 = arith.constant 0 : i32
    %dma_wait3A_136 = tpu.memref_slice %arg2[%dma_wait3A, %dma_wait3A_135] : memref<8192x32xf32, #tpu.memory_space<hbm>> -> memref<8192x32xf32, #tpu.memory_space<hbm>>
    tpu.wait_indirect_dma semaphore(%arg11 : memref<!tpu.dma_semaphore, #tpu.memory_space<semaphore_mem>>) src(%dma_wait3A_136 : memref<8192x32xf32, #tpu.memory_space<hbm>>) dst(%arg7 : memref<512x32xf32, #tpu.memory_space<vmem>>)
    "tpu.region"() ({
      %run_scoped3A = tpu.sem_alloc : memref<!tpu.dma_semaphore, #tpu.memory_space<semaphore_mem>>
      %dma_start3A_275 = arith.constant 0 : i32
      %dma_start3A_276 = tpu.memref_slice %arg4[%mul3A_2, %dma_start3A_275] : memref<16384x32xf32, #tpu.memory_space<hbm>> -> memref<512x32xf32, #tpu.memory_space<hbm>>
      %dma_start3A_277 = arith.constant 0 : i32
      %dma_start3A_278 = tpu.memref_slice %arg4[%mul3A_2, %dma_start3A_277] : memref<16384x32xf32, #tpu.memory_space<hbm>> -> memref<512x32xf32, #tpu.memory_space<hbm>>
      tpu.enqueue_dma source(%arg7 : memref<512x32xf32, #tpu.memory_space<vmem>>) target(%dma_start3A_278 : memref<512x32xf32, #tpu.memory_space<hbm>>) target_semaphore(%run_scoped3A : memref<!tpu.dma_semaphore, #tpu.memory_space<semaphore_mem>>)
      %dma_wait3A_279 = arith.constant 0 : i32
      %dma_wait3A_280 = tpu.memref_slice %arg4[%mul3A_2, %dma_wait3A_279] : memref<16384x32xf32, #tpu.memory_space<hbm>> -> memref<512x32xf32, #tpu.memory_space<hbm>>
      %dma_wait3A_281 = arith.constant 0 : i32
      %dma_wait3A_282 = tpu.memref_slice %arg4[%mul3A_2, %dma_wait3A_281] : memref<16384x32xf32, #tpu.memory_space<hbm>> -> memref<512x32xf32, #tpu.memory_space<hbm>>
      tpu.wait_dma2 semaphore(%run_scoped3A : memref<!tpu.dma_semaphore, #tpu.memory_space<semaphore_mem>>) src(%arg7 : memref<512x32xf32, #tpu.memory_space<vmem>>) dst(%dma_wait3A_282 : memref<512x32xf32, #tpu.memory_space<hbm>>)
      tpu.yield
    }) : () -> ()
    %broadcast_in_dim3A_137 = arith.constant 1.000000e+00 : f32
    %broadcast_in_dim3A_138 = vector.broadcast %broadcast_in_dim3A_137 : f32 to vector<16xf32>
    %swap3A_139 = arith.constant 0 : index
    %swap3A_140 = tpu.vector_load %arg8[%swap3A_139] {strides = array<i32>} : memref<512xf32, #tpu.memory_space<vmem>>, vector<16xf32>,
    %swap3A_141 = vector.shape_cast %swap3A_140 : vector<16xf32> to vector<16xf32>
    %swap3A_142 = vector.shape_cast %broadcast_in_dim3A_138 : vector<16xf32> to vector<16xf32>
    tpu.vector_store %arg8[%swap3A_139], %swap3A_142 {strides = array<i32>} : memref<512xf32, #tpu.memory_space<vmem>>, vector<16xf32>,
    %swap3A_143 = arith.constant 16 : index
    %swap3A_144 = tpu.vector_load %arg8[%swap3A_143] {strides = array<i32>} : memref<512xf32, #tpu.memory_space<vmem>>, vector<16xf32>,
    %swap3A_145 = vector.shape_cast %swap3A_144 : vector<16xf32> to vector<16xf32>
    %swap3A_146 = vector.shape_cast %broadcast_in_dim3A_138 : vector<16xf32> to vector<16xf32>
    tpu.vector_store %arg8[%swap3A_143], %swap3A_146 {strides = array<i32>} : memref<512xf32, #tpu.memory_space<vmem>>, vector<16xf32>,
    %swap3A_147 = arith.constant 32 : index
    %swap3A_148 = tpu.vector_load %arg8[%swap3A_147] {strides = array<i32>} : memref<512xf32, #tpu.memory_space<vmem>>, vector<16xf32>,
    %swap3A_149 = vector.shape_cast %swap3A_148 : vector<16xf32> to vector<16xf32>
    %swap3A_150 = vector.shape_cast %broadcast_in_dim3A_138 : vector<16xf32> to vector<16xf32>
    tpu.vector_store %arg8[%swap3A_147], %swap3A_150 {strides = array<i32>} : memref<512xf32, #tpu.memory_space<vmem>>, vector<16xf32>,
    %swap3A_151 = arith.constant 48 : index
    %swap3A_152 = tpu.vector_load %arg8[%swap3A_151] {strides = array<i32>} : memref<512xf32, #tpu.memory_space<vmem>>, vector<16xf32>,
    %swap3A_153 = vector.shape_cast %swap3A_152 : vector<16xf32> to vector<16xf32>
    %swap3A_154 = vector.shape_cast %broadcast_in_dim3A_138 : vector<16xf32> to vector<16xf32>
    tpu.vector_store %arg8[%swap3A_151], %swap3A_154 {strides = array<i32>} : memref<512xf32, #tpu.memory_space<vmem>>, vector<16xf32>,
    %swap3A_155 = arith.constant 64 : index
    %swap3A_156 = tpu.vector_load %arg8[%swap3A_155] {strides = array<i32>} : memref<512xf32, #tpu.memory_space<vmem>>, vector<16xf32>,
    %swap3A_157 = vector.shape_cast %swap3A_156 : vector<16xf32> to vector<16xf32>
    %swap3A_158 = vector.shape_cast %broadcast_in_dim3A_138 : vector<16xf32> to vector<16xf32>
    tpu.vector_store %arg8[%swap3A_155], %swap3A_158 {strides = array<i32>} : memref<512xf32, #tpu.memory_space<vmem>>, vector<16xf32>,
    %swap3A_159 = arith.constant 80 : index
    %swap3A_160 = tpu.vector_load %arg8[%swap3A_159] {strides = array<i32>} : memref<512xf32, #tpu.memory_space<vmem>>, vector<16xf32>,
    %swap3A_161 = vector.shape_cast %swap3A_160 : vector<16xf32> to vector<16xf32>
    %swap3A_162 = vector.shape_cast %broadcast_in_dim3A_138 : vector<16xf32> to vector<16xf32>
    tpu.vector_store %arg8[%swap3A_159], %swap3A_162 {strides = array<i32>} : memref<512xf32, #tpu.memory_space<vmem>>, vector<16xf32>,
    %swap3A_163 = arith.constant 96 : index
    %swap3A_164 = tpu.vector_load %arg8[%swap3A_163] {strides = array<i32>} : memref<512xf32, #tpu.memory_space<vmem>>, vector<16xf32>,
    %swap3A_165 = vector.shape_cast %swap3A_164 : vector<16xf32> to vector<16xf32>
    %swap3A_166 = vector.shape_cast %broadcast_in_dim3A_138 : vector<16xf32> to vector<16xf32>
    tpu.vector_store %arg8[%swap3A_163], %swap3A_166 {strides = array<i32>} : memref<512xf32, #tpu.memory_space<vmem>>, vector<16xf32>,
    %swap3A_167 = arith.constant 112 : index
    %swap3A_168 = tpu.vector_load %arg8[%swap3A_167] {strides = array<i32>} : memref<512xf32, #tpu.memory_space<vmem>>, vector<16xf32>,
    %swap3A_169 = vector.shape_cast %swap3A_168 : vector<16xf32> to vector<16xf32>
    %swap3A_170 = vector.shape_cast %broadcast_in_dim3A_138 : vector<16xf32> to vector<16xf32>
    tpu.vector_store %arg8[%swap3A_167], %swap3A_170 {strides = array<i32>} : memref<512xf32, #tpu.memory_space<vmem>>, vector<16xf32>,
    %swap3A_171 = arith.constant 128 : index
    %swap3A_172 = tpu.vector_load %arg8[%swap3A_171] {strides = array<i32>} : memref<512xf32, #tpu.memory_space<vmem>>, vector<16xf32>,
    %swap3A_173 = vector.shape_cast %swap3A_172 : vector<16xf32> to vector<16xf32>
    %swap3A_174 = vector.shape_cast %broadcast_in_dim3A_138 : vector<16xf32> to vector<16xf32>
    tpu.vector_store %arg8[%swap3A_171], %swap3A_174 {strides = array<i32>} : memref<512xf32, #tpu.memory_space<vmem>>, vector<16xf32>,
    %swap3A_175 = arith.constant 144 : index
    %swap3A_176 = tpu.vector_load %arg8[%swap3A_175] {strides = array<i32>} : memref<512xf32, #tpu.memory_space<vmem>>, vector<16xf32>,
    %swap3A_177 = vector.shape_cast %swap3A_176 : vector<16xf32> to vector<16xf32>
    %swap3A_178 = vector.shape_cast %broadcast_in_dim3A_138 : vector<16xf32> to vector<16xf32>
    tpu.vector_store %arg8[%swap3A_175], %swap3A_178 {strides = array<i32>} : memref<512xf32, #tpu.memory_space<vmem>>, vector<16xf32>,
    %swap3A_179 = arith.constant 160 : index
    %swap3A_180 = tpu.vector_load %arg8[%swap3A_179] {strides = array<i32>} : memref<512xf32, #tpu.memory_space<vmem>>, vector<16xf32>,
    %swap3A_181 = vector.shape_cast %swap3A_180 : vector<16xf32> to vector<16xf32>
    %swap3A_182 = vector.shape_cast %broadcast_in_dim3A_138 : vector<16xf32> to vector<16xf32>
    tpu.vector_store %arg8[%swap3A_179], %swap3A_182 {strides = array<i32>} : memref<512xf32, #tpu.memory_space<vmem>>, vector<16xf32>,
    %swap3A_183 = arith.constant 176 : index
    %swap3A_184 = tpu.vector_load %arg8[%swap3A_183] {strides = array<i32>} : memref<512xf32, #tpu.memory_space<vmem>>, vector<16xf32>,
    %swap3A_185 = vector.shape_cast %swap3A_184 : vector<16xf32> to vector<16xf32>
    %swap3A_186 = vector.shape_cast %broadcast_in_dim3A_138 : vector<16xf32> to vector<16xf32>
    tpu.vector_store %arg8[%swap3A_183], %swap3A_186 {strides = array<i32>} : memref<512xf32, #tpu.memory_space<vmem>>, vector<16xf32>,
    %swap3A_187 = arith.constant 192 : index
    %swap3A_188 = tpu.vector_load %arg8[%swap3A_187] {strides = array<i32>} : memref<512xf32, #tpu.memory_space<vmem>>, vector<16xf32>,
    %swap3A_189 = vector.shape_cast %swap3A_188 : vector<16xf32> to vector<16xf32>
    %swap3A_190 = vector.shape_cast %broadcast_in_dim3A_138 : vector<16xf32> to vector<16xf32>
    tpu.vector_store %arg8[%swap3A_187], %swap3A_190 {strides = array<i32>} : memref<512xf32, #tpu.memory_space<vmem>>, vector<16xf32>,
    %swap3A_191 = arith.constant 208 : index
    %swap3A_192 = tpu.vector_load %arg8[%swap3A_191] {strides = array<i32>} : memref<512xf32, #tpu.memory_space<vmem>>, vector<16xf32>,
    %swap3A_193 = vector.shape_cast %swap3A_192 : vector<16xf32> to vector<16xf32>
    %swap3A_194 = vector.shape_cast %broadcast_in_dim3A_138 : vector<16xf32> to vector<16xf32>
    tpu.vector_store %arg8[%swap3A_191], %swap3A_194 {strides = array<i32>} : memref<512xf32, #tpu.memory_space<vmem>>, vector<16xf32>,
    %swap3A_195 = arith.constant 224 : index
    %swap3A_196 = tpu.vector_load %arg8[%swap3A_195] {strides = array<i32>} : memref<512xf32, #tpu.memory_space<vmem>>, vector<16xf32>,
    %swap3A_197 = vector.shape_cast %swap3A_196 : vector<16xf32> to vector<16xf32>
    %swap3A_198 = vector.shape_cast %broadcast_in_dim3A_138 : vector<16xf32> to vector<16xf32>
    tpu.vector_store %arg8[%swap3A_195], %swap3A_198 {strides = array<i32>} : memref<512xf32, #tpu.memory_space<vmem>>, vector<16xf32>,
    %swap3A_199 = arith.constant 240 : index
    %swap3A_200 = tpu.vector_load %arg8[%swap3A_199] {strides = array<i32>} : memref<512xf32, #tpu.memory_space<vmem>>, vector<16xf32>,
    %swap3A_201 = vector.shape_cast %swap3A_200 : vector<16xf32> to vector<16xf32>
    %swap3A_202 = vector.shape_cast %broadcast_in_dim3A_138 : vector<16xf32> to vector<16xf32>
    tpu.vector_store %arg8[%swap3A_199], %swap3A_202 {strides = array<i32>} : memref<512xf32, #tpu.memory_space<vmem>>, vector<16xf32>,
    %swap3A_203 = arith.constant 256 : index
    %swap3A_204 = tpu.vector_load %arg8[%swap3A_203] {strides = array<i32>} : memref<512xf32, #tpu.memory_space<vmem>>, vector<16xf32>,
    %swap3A_205 = vector.shape_cast %swap3A_204 : vector<16xf32> to vector<16xf32>
    %swap3A_206 = vector.shape_cast %broadcast_in_dim3A_138 : vector<16xf32> to vector<16xf32>
    tpu.vector_store %arg8[%swap3A_203], %swap3A_206 {strides = array<i32>} : memref<512xf32, #tpu.memory_space<vmem>>, vector<16xf32>,
    %swap3A_207 = arith.constant 272 : index
    %swap3A_208 = tpu.vector_load %arg8[%swap3A_207] {strides = array<i32>} : memref<512xf32, #tpu.memory_space<vmem>>, vector<16xf32>,
    %swap3A_209 = vector.shape_cast %swap3A_208 : vector<16xf32> to vector<16xf32>
    %swap3A_210 = vector.shape_cast %broadcast_in_dim3A_138 : vector<16xf32> to vector<16xf32>
    tpu.vector_store %arg8[%swap3A_207], %swap3A_210 {strides = array<i32>} : memref<512xf32, #tpu.memory_space<vmem>>, vector<16xf32>,
    %swap3A_211 = arith.constant 288 : index
    %swap3A_212 = tpu.vector_load %arg8[%swap3A_211] {strides = array<i32>} : memref<512xf32, #tpu.memory_space<vmem>>, vector<16xf32>,
    %swap3A_213 = vector.shape_cast %swap3A_212 : vector<16xf32> to vector<16xf32>
    %swap3A_214 = vector.shape_cast %broadcast_in_dim3A_138 : vector<16xf32> to vector<16xf32>
    tpu.vector_store %arg8[%swap3A_211], %swap3A_214 {strides = array<i32>} : memref<512xf32, #tpu.memory_space<vmem>>, vector<16xf32>,
    %swap3A_215 = arith.constant 304 : index
    %swap3A_216 = tpu.vector_load %arg8[%swap3A_215] {strides = array<i32>} : memref<512xf32, #tpu.memory_space<vmem>>, vector<16xf32>,
    %swap3A_217 = vector.shape_cast %swap3A_216 : vector<16xf32> to vector<16xf32>
    %swap3A_218 = vector.shape_cast %broadcast_in_dim3A_138 : vector<16xf32> to vector<16xf32>
    tpu.vector_store %arg8[%swap3A_215], %swap3A_218 {strides = array<i32>} : memref<512xf32, #tpu.memory_space<vmem>>, vector<16xf32>,
    %swap3A_219 = arith.constant 320 : index
    %swap3A_220 = tpu.vector_load %arg8[%swap3A_219] {strides = array<i32>} : memref<512xf32, #tpu.memory_space<vmem>>, vector<16xf32>,
    %swap3A_221 = vector.shape_cast %swap3A_220 : vector<16xf32> to vector<16xf32>
    %swap3A_222 = vector.shape_cast %broadcast_in_dim3A_138 : vector<16xf32> to vector<16xf32>
    tpu.vector_store %arg8[%swap3A_219], %swap3A_222 {strides = array<i32>} : memref<512xf32, #tpu.memory_space<vmem>>, vector<16xf32>,
    %swap3A_223 = arith.constant 336 : index
    %swap3A_224 = tpu.vector_load %arg8[%swap3A_223] {strides = array<i32>} : memref<512xf32, #tpu.memory_space<vmem>>, vector<16xf32>,
    %swap3A_225 = vector.shape_cast %swap3A_224 : vector<16xf32> to vector<16xf32>
    %swap3A_226 = vector.shape_cast %broadcast_in_dim3A_138 : vector<16xf32> to vector<16xf32>
    tpu.vector_store %arg8[%swap3A_223], %swap3A_226 {strides = array<i32>} : memref<512xf32, #tpu.memory_space<vmem>>, vector<16xf32>,
    %swap3A_227 = arith.constant 352 : index
    %swap3A_228 = tpu.vector_load %arg8[%swap3A_227] {strides = array<i32>} : memref<512xf32, #tpu.memory_space<vmem>>, vector<16xf32>,
    %swap3A_229 = vector.shape_cast %swap3A_228 : vector<16xf32> to vector<16xf32>
    %swap3A_230 = vector.shape_cast %broadcast_in_dim3A_138 : vector<16xf32> to vector<16xf32>
    tpu.vector_store %arg8[%swap3A_227], %swap3A_230 {strides = array<i32>} : memref<512xf32, #tpu.memory_space<vmem>>, vector<16xf32>,
    %swap3A_231 = arith.constant 368 : index
    %swap3A_232 = tpu.vector_load %arg8[%swap3A_231] {strides = array<i32>} : memref<512xf32, #tpu.memory_space<vmem>>, vector<16xf32>,
    %swap3A_233 = vector.shape_cast %swap3A_232 : vector<16xf32> to vector<16xf32>
    %swap3A_234 = vector.shape_cast %broadcast_in_dim3A_138 : vector<16xf32> to vector<16xf32>
    tpu.vector_store %arg8[%swap3A_231], %swap3A_234 {strides = array<i32>} : memref<512xf32, #tpu.memory_space<vmem>>, vector<16xf32>,
    %swap3A_235 = arith.constant 384 : index
    %swap3A_236 = tpu.vector_load %arg8[%swap3A_235] {strides = array<i32>} : memref<512xf32, #tpu.memory_space<vmem>>, vector<16xf32>,
    %swap3A_237 = vector.shape_cast %swap3A_236 : vector<16xf32> to vector<16xf32>
    %swap3A_238 = vector.shape_cast %broadcast_in_dim3A_138 : vector<16xf32> to vector<16xf32>
    tpu.vector_store %arg8[%swap3A_235], %swap3A_238 {strides = array<i32>} : memref<512xf32, #tpu.memory_space<vmem>>, vector<16xf32>,
    %swap3A_239 = arith.constant 400 : index
    %swap3A_240 = tpu.vector_load %arg8[%swap3A_239] {strides = array<i32>} : memref<512xf32, #tpu.memory_space<vmem>>, vector<16xf32>,
    %swap3A_241 = vector.shape_cast %swap3A_240 : vector<16xf32> to vector<16xf32>
    %swap3A_242 = vector.shape_cast %broadcast_in_dim3A_138 : vector<16xf32> to vector<16xf32>
    tpu.vector_store %arg8[%swap3A_239], %swap3A_242 {strides = array<i32>} : memref<512xf32, #tpu.memory_space<vmem>>, vector<16xf32>,
    %swap3A_243 = arith.constant 416 : index
    %swap3A_244 = tpu.vector_load %arg8[%swap3A_243] {strides = array<i32>} : memref<512xf32, #tpu.memory_space<vmem>>, vector<16xf32>,
    %swap3A_245 = vector.shape_cast %swap3A_244 : vector<16xf32> to vector<16xf32>
    %swap3A_246 = vector.shape_cast %broadcast_in_dim3A_138 : vector<16xf32> to vector<16xf32>
    tpu.vector_store %arg8[%swap3A_243], %swap3A_246 {strides = array<i32>} : memref<512xf32, #tpu.memory_space<vmem>>, vector<16xf32>,
    %swap3A_247 = arith.constant 432 : index
    %swap3A_248 = tpu.vector_load %arg8[%swap3A_247] {strides = array<i32>} : memref<512xf32, #tpu.memory_space<vmem>>, vector<16xf32>,
    %swap3A_249 = vector.shape_cast %swap3A_248 : vector<16xf32> to vector<16xf32>
    %swap3A_250 = vector.shape_cast %broadcast_in_dim3A_138 : vector<16xf32> to vector<16xf32>
    tpu.vector_store %arg8[%swap3A_247], %swap3A_250 {strides = array<i32>} : memref<512xf32, #tpu.memory_space<vmem>>, vector<16xf32>,
    %swap3A_251 = arith.constant 448 : index
    %swap3A_252 = tpu.vector_load %arg8[%swap3A_251] {strides = array<i32>} : memref<512xf32, #tpu.memory_space<vmem>>, vector<16xf32>,
    %swap3A_253 = vector.shape_cast %swap3A_252 : vector<16xf32> to vector<16xf32>
    %swap3A_254 = vector.shape_cast %broadcast_in_dim3A_138 : vector<16xf32> to vector<16xf32>
    tpu.vector_store %arg8[%swap3A_251], %swap3A_254 {strides = array<i32>} : memref<512xf32, #tpu.memory_space<vmem>>, vector<16xf32>,
    %swap3A_255 = arith.constant 464 : index
    %swap3A_256 = tpu.vector_load %arg8[%swap3A_255] {strides = array<i32>} : memref<512xf32, #tpu.memory_space<vmem>>, vector<16xf32>,
    %swap3A_257 = vector.shape_cast %swap3A_256 : vector<16xf32> to vector<16xf32>
    %swap3A_258 = vector.shape_cast %broadcast_in_dim3A_138 : vector<16xf32> to vector<16xf32>
    tpu.vector_store %arg8[%swap3A_255], %swap3A_258 {strides = array<i32>} : memref<512xf32, #tpu.memory_space<vmem>>, vector<16xf32>,
    %swap3A_259 = arith.constant 480 : index
    %swap3A_260 = tpu.vector_load %arg8[%swap3A_259] {strides = array<i32>} : memref<512xf32, #tpu.memory_space<vmem>>, vector<16xf32>,
    %swap3A_261 = vector.shape_cast %swap3A_260 : vector<16xf32> to vector<16xf32>
    %swap3A_262 = vector.shape_cast %broadcast_in_dim3A_138 : vector<16xf32> to vector<16xf32>
    tpu.vector_store %arg8[%swap3A_259], %swap3A_262 {strides = array<i32>} : memref<512xf32, #tpu.memory_space<vmem>>, vector<16xf32>,
    %swap3A_263 = arith.constant 496 : index
    %swap3A_264 = tpu.vector_load %arg8[%swap3A_263] {strides = array<i32>} : memref<512xf32, #tpu.memory_space<vmem>>, vector<16xf32>,
    %swap3A_265 = vector.shape_cast %swap3A_264 : vector<16xf32> to vector<16xf32>
    %swap3A_266 = vector.shape_cast %broadcast_in_dim3A_138 : vector<16xf32> to vector<16xf32>
    tpu.vector_store %arg8[%swap3A_263], %swap3A_266 {strides = array<i32>} : memref<512xf32, #tpu.memory_space<vmem>>, vector<16xf32>,
    %barrier3A = arith.constant 0 : index
    tpu.barrier barrier_id(%barrier3A)
    "tpu.region"() ({
      %run_scoped3A = tpu.sem_alloc : memref<!tpu.dma_semaphore, #tpu.memory_space<semaphore_mem>>
      %dma_start3A_275 = arith.constant 0 : i32
      %dma_start3A_276 = tpu.memref_slice %arg10[%dma_start3A_275] : memref<8192xf32, #tpu.memory_space<vmem_shared>> -> memref<8192xf32, #tpu.memory_space<vmem_shared>>
      tpu.enqueue_indirect_dma source(%arg8 : memref<512xf32, #tpu.memory_space<vmem>>) target(%dma_start3A_276 : memref<8192xf32, #tpu.memory_space<vmem_shared>>) offsets(%arg6 : memref<512xi32, #tpu.memory_space<vmem>>) semaphore(%run_scoped3A : memref<!tpu.dma_semaphore, #tpu.memory_space<semaphore_mem>>) {add = true}
      %dma_wait3A_277 = arith.constant 0 : i32
      %dma_wait3A_278 = tpu.memref_slice %arg10[%dma_wait3A_277] : memref<8192xf32, #tpu.memory_space<vmem_shared>> -> memref<8192xf32, #tpu.memory_space<vmem_shared>>
      tpu.wait_indirect_dma semaphore(%run_scoped3A : memref<!tpu.dma_semaphore, #tpu.memory_space<semaphore_mem>>) src(%arg8 : memref<512xf32, #tpu.memory_space<vmem>>) dst(%dma_wait3A_278 : memref<8192xf32, #tpu.memory_space<vmem_shared>>)
      tpu.yield
    }) : () -> ()
    %barrier3A_267 = arith.constant 0 : index
    tpu.barrier barrier_id(%barrier3A_267)
    %mul3A_268 = arith.constant 512 : i32
    %mul3A_269 = arith.muli %arg1, %mul3A_268 : i32
    "tpu.region"() ({
      %run_scoped3A = tpu.sem_alloc : memref<!tpu.dma_semaphore, #tpu.memory_space<semaphore_mem>>
      %dma_start3A_275 = tpu.memref_slice %arg10[%mul3A_269] : memref<8192xf32, #tpu.memory_space<vmem_shared>> -> memref<512xf32, #tpu.memory_space<vmem_shared>>
      %dma_start3A_276 = tpu.memref_slice %arg10[%mul3A_269] : memref<8192xf32, #tpu.memory_space<vmem_shared>> -> memref<512xf32, #tpu.memory_space<vmem_shared>>
      tpu.enqueue_dma source(%dma_start3A_276 : memref<512xf32, #tpu.memory_space<vmem_shared>>) target(%arg9 : memref<512xf32, #tpu.memory_space<vmem>>) target_semaphore(%run_scoped3A : memref<!tpu.dma_semaphore, #tpu.memory_space<semaphore_mem>>)
      %dma_wait3A_277 = tpu.memref_slice %arg10[%mul3A_269] : memref<8192xf32, #tpu.memory_space<vmem_shared>> -> memref<512xf32, #tpu.memory_space<vmem_shared>>
      %dma_wait3A_278 = tpu.memref_slice %arg10[%mul3A_269] : memref<8192xf32, #tpu.memory_space<vmem_shared>> -> memref<512xf32, #tpu.memory_space<vmem_shared>>
      tpu.wait_dma2 semaphore(%run_scoped3A : memref<!tpu.dma_semaphore, #tpu.memory_space<semaphore_mem>>) src(%dma_wait3A_278 : memref<512xf32, #tpu.memory_space<vmem_shared>>) dst(%arg9 : memref<512xf32, #tpu.memory_space<vmem>>)
      tpu.yield
    }) : () -> ()
    %mul3A_270 = arith.constant 8192 : i32
    %mul3A_271 = arith.muli %arg0, %mul3A_270 : i32
    %mul3A_272 = arith.constant 512 : i32
    %mul3A_273 = arith.muli %arg1, %mul3A_272 : i32
    %add3A_274 = arith.addi %mul3A_271, %mul3A_273 : i32
    "tpu.region"() ({
      %run_scoped3A = tpu.sem_alloc : memref<!tpu.dma_semaphore, #tpu.memory_space<semaphore_mem>>
      %dma_start3A_275 = tpu.memref_slice %arg5[%add3A_274] : memref<16384xf32, #tpu.memory_space<hbm>> -> memref<512xf32, #tpu.memory_space<hbm>>
      %dma_start3A_276 = tpu.memref_slice %arg5[%add3A_274] : memref<16384xf32, #tpu.memory_space<hbm>> -> memref<512xf32, #tpu.memory_space<hbm>>
      tpu.enqueue_dma source(%arg9 : memref<512xf32, #tpu.memory_space<vmem>>) target(%dma_start3A_276 : memref<512xf32, #tpu.memory_space<hbm>>) target_semaphore(%run_scoped3A : memref<!tpu.dma_semaphore, #tpu.memory_space<semaphore_mem>>)
      %dma_wait3A_277 = tpu.memref_slice %arg5[%add3A_274] : memref<16384xf32, #tpu.memory_space<hbm>> -> memref<512xf32, #tpu.memory_space<hbm>>
      %dma_wait3A_278 = tpu.memref_slice %arg5[%add3A_274] : memref<16384xf32, #tpu.memory_space<hbm>> -> memref<512xf32, #tpu.memory_space<hbm>>
      tpu.wait_dma2 semaphore(%run_scoped3A : memref<!tpu.dma_semaphore, #tpu.memory_space<semaphore_mem>>) src(%arg9 : memref<512xf32, #tpu.memory_space<vmem>>) dst(%dma_wait3A_278 : memref<512xf32, #tpu.memory_space<hbm>>)
      tpu.yield
    }) : () -> ()
    return
  }
}

</mosaic_0001>

<sc_bundles>
// kernel: _sc_call.3.cloned.1.call-start
scs
__scs_entry_jumppad:
0x0: {  	(pc) =	sbr.rel $0x88, $3  }
0x1: {  	(tag) =	ssettag $0x0;
	lr =	simm.s32 $0x1  }
0x2: {  	[smem:$0x3F9F] =	sst lr;
	_ =	strace $0xD0000000  }
0x3: {  	_ = 	snop  }
0x4: {  	_ = 	snop  }
0x5: {  	_ = 	snop  }
0x6: {  	_ = 	snop  }
0x7: {  	_ = 	snop  }
__scs_overlays_trampoline_lowered:
0x8: {  	[smem:$0x3FAE] =	sst s0  }
0x9: {  	[smem:$0x3FAF] =	sst s1  }
0xa: {  	[smem:$0x3FB0] =	sst s2  }
0xb: {  	[smem:$0x3FB1] =	sst s3  }
0xc: {  	[smem:$0x3FB2] =	sst s4  }
0xd: {  	[smem:$0x3FB3] =	sst s5  }
0xe: {  	[smem:$0x3FB4] =	sst s6  }
0xf: {  	[smem:$0x3FB5] =	sst s7  }
0x10: {  	[smem:$0x3FB6] =	sst s8  }
0x11: {  	[smem:$0x3FB7] =	sst s9;
	s0 =	simm.s32 @!p0 $0x0  }
0x12: {  	s1 =	sld [smem:$0x3F9D];
	s0 =	simm.s32 @p0 $0x1  }
0x13: {  	[smem:$0x3FB8] =	sst s0;
	s0 =	simm.s32 @!p1 $0x0  }
0x14: {  	s2 =	sld [smem:$0x3F9C];
	s0 =	simm.s32 @p1 $0x1  }
0x15: {  	[smem:$0x3FB9] =	sst s0;
	s0 =	simm.s32 @!p2 $0x0  }
0x16: {  	s3 =	sld [smem:$0x3FDB];
	s0 =	simm.s32 @p2 $0x1  }
0x17: {  	s4 =	simm.s32 $0x1BF5;
	[smem:$0x3FBB] =	sst s0  }
0x18: {  	s0 =	sld [smem:$0x3F9E];
	_ =	swait.ge [sflag:s4], $0x0  }
0x19: {  	s7 =	sld [smem:$0x3F9F]  }
0x1a: {  	s8 =	sadd.s32 $0xFFFFE003, lr  }
0x1b: {  	s9 =	sadd.s32 $0xFFFFFEF7, lr;
	s5 =	simm.s32 $0xFFFFFFFF;
	p2 =	slt.u32 s8, $0xFFFFF086  }
0x1c: {  	p1 =	slt.u32 s9, $0xF7A;
	s5 =	simm.s32 @!p2 $0x0  }
0x1d: {  	s5 =	simm.s32 @p1 $0x1;
	p0 =	seq.s32 s7, s2  }
0x1e: {  	s7 =	smul.u32 @!p0 $0xF7A, s2;
	p2 =	seq.s32 @!p0 s5, $0x0  }
0x1f: {  	s9 =	smul.u32 $0xF7A, s1;
	s8 =	simm.s32 @!p0 $0x1BF5;
	p2 =	por !p2, p0  }
0x20: {  	[sflag:s8] =	ssyncset.s32 @!p0 $0xFFFFF086;
	s6 =	sadd.s32 @!p0 s3, s7;
	s7 =	simm.s32 @!p0 $0x108  }
0x21: {  	s3 =	sadd.s32 s3, s9;
	s6 =	sadd.s32 @!p0 $0x88, s6;
	s7 =	simm.s32 @p2 $0x1082  }
0x22: {  	[simem:s7], [sflag:s8] =	dma.local @!p0 [hbm:s6], $0xF7A  }
0x23: {  	s9 =	sor.u32 $0xD0000000, s2;
	s6 =	simm.s32 $0x108;
	_ =	swait.ge @!p0 [sflag:s8], $0x0  }
0x24: {  	s3 =	sadd.s32 $0x88, s3;
	s6 =	simm.s32 @!p1 $0x1082;
	[sflag:s4] =	ssyncset.s32 $0xFFFFF086  }
0x25: {  	[simem:s6], [sflag:s4] =	dma.local [hbm:s3], $0xF7A  }
0x26: {  	[smem:$0x3F9F] =	sst s1;
	(tag) =	ssettag s2;
	_ =	strace s9  }
0x27: {  	s1 =	sld [smem:$0x3FAF]  }
0x28: {  	s2 =	sld [smem:$0x3FB0]  }
0x29: {  	s4 =	sld [smem:$0x3FB2]  }
0x2a: {  	p0 =	seq.s32 s5, $0x0;
	s5 =	sld [smem:$0x3FB3]  }
0x2b: {  	s6 =	sld [smem:$0x3FB4]  }
0x2c: {  	s7 =	sld [smem:$0x3FB5]  }
0x2d: {  	s3 =	simm.s32 $0x108;
	s8 =	sld [smem:$0x3FB6]  }
0x2e: {  	s3 =	simm.s32 @!p0 $0x1082;
	s9 =	sld [smem:$0x3FB7]  }
0x2f: {  	lr =	sadd.s32 s0, s3;
	s0 =	sld [smem:$0x3FAE]  }
0x30: {  	s3 =	sld [smem:$0x3FB1]  }
0x31: {  	[smem:$0x3FBA] =	sst s10  }
0x32: {  	s10 =	sld [smem:$0x3FB8];
	_ =	sdelay $0x3  }
0x33: {  	p0 =	seq.s32 s10, $0x1;
	s10 =	sld [smem:$0x3FBA];
	_ =	sdelay $0x3  }
0x34: {  	[smem:$0x3FBA] =	sst s10  }
0x35: {  	s10 =	sld [smem:$0x3FB9];
	_ =	sdelay $0x3  }
0x36: {  	p1 =	seq.s32 s10, $0x1;
	s10 =	sld [smem:$0x3FBA];
	_ =	sdelay $0x3  }
0x37: {  	[smem:$0x3FBA] =	sst s10  }
0x38: {  	s10 =	sld [smem:$0x3FBB]  }
0x39: {  	_ = 	snop;
	(pc) =	sbr.ind lr, $3  }
0x3a: {  	_ = 	snop  }
0x3b: {  	_ = 	snop  }
0x3c: {  	p2 =	seq.s32 s10, $0x1;
	s10 =	sld [smem:$0x3FBA]  }
0x3d: {  	_ =	shalt  }
0x3e: {  	_ =	shalt  }
0x3f: {  	_ =	shalt  }
0x40: {  	_ =	shalt  }
0x41: {  	_ =	shalt  }
0x42: {  	_ =	shalt  }
0x43: {  	_ =	shalt  }
0x44: {  	_ =	shalt  }
0x45: {  	_ =	shalt  }
0x46: {  	_ =	shalt  }
0x47: {  	_ =	shalt  }
0x48: {  	_ =	shalt  }
0x49: {  	_ =	shalt  }
0x4a: {  	_ =	shalt  }
0x4b: {  	_ =	shalt  }
0x4c: {  	_ =	shalt  }
0x4d: {  	_ =	shalt  }
0x4e: {  	_ =	shalt  }
0x4f: {  	_ =	shalt  }
0x50: {  	_ =	shalt  }
0x51: {  	_ =	shalt  }
0x52: {  	_ =	shalt  }
0x53: {  	_ =	shalt  }
0x54: {  	_ =	shalt  }
0x55: {  	_ =	shalt  }
0x56: {  	_ =	shalt  }
0x57: {  	_ =	shalt  }
0x58: {  	_ =	shalt  }
0x59: {  	_ =	shalt  }
0x5a: {  	_ =	shalt  }
0x5b: {  	_ =	shalt  }
0x5c: {  	_ =	shalt  }
0x5d: {  	_ =	shalt  }
0x5e: {  	_ =	shalt  }
0x5f: {  	_ =	shalt  }
0x60: {  	_ =	shalt  }
0x61: {  	_ =	shalt  }
0x62: {  	_ =	shalt  }
0x63: {  	_ =	shalt  }
0x64: {  	_ =	shalt  }
0x65: {  	_ =	shalt  }
0x66: {  	_ =	shalt  }
0x67: {  	_ =	shalt  }
0x68: {  	_ =	shalt  }
0x69: {  	_ =	shalt  }
0x6a: {  	_ =	shalt  }
0x6b: {  	_ =	shalt  }
0x6c: {  	_ =	shalt  }
0x6d: {  	_ =	shalt  }
0x6e: {  	_ =	shalt  }
0x6f: {  	_ =	shalt  }
0x70: {  	_ =	shalt  }
0x71: {  	_ =	shalt  }
0x72: {  	_ =	shalt  }
0x73: {  	_ =	shalt  }
0x74: {  	_ =	shalt  }
0x75: {  	_ =	shalt  }
0x76: {  	_ =	shalt  }
0x77: {  	_ =	shalt  }
0x78: {  	_ =	shalt  }
0x79: {  	_ =	shalt  }
0x7a: {  	_ =	shalt  }
0x7b: {  	_ =	shalt  }
0x7c: {  	_ =	shalt  }
0x7d: {  	_ =	shalt  }
0x7e: {  	_ =	shalt  }
0x7f: {  	_ =	shalt  }
0x80: {  	_ =	shalt  }
0x81: {  	_ =	shalt  }
0x82: {  	_ =	shalt  }
0x83: {  	_ =	shalt  }
0x84: {  	_ =	shalt  }
0x85: {  	_ =	shalt  }
0x86: {  	_ =	shalt  }
0x87: {  	_ =	shalt  }
.Lfunc_end0:
.L_simem_size_0:
called_computation_lowered:
.L_overlay_start_0:
0x88: {  	s2 =	sld [smem:$0x3FD9]  }
0x89: {  	s3 =	sld [smem:$0x3FFE];
	_ =	sdelay $0x1  }
0x8a: {  	s1 =	srdreg.scid  }
0x8b: {  	s0 =	sand.u32 $0x1, s1  }
0x8c: {  	s14 =	sshll.u32 s0, $0xA;
	s2 =	sadd.s32 s3, s2  }
0x8d: {  	s2 =	sadd.s32 s2, s14  }
0x8e: {  	[smem:$0x3FC6] =	sst s2  }
0x8f: {  	_ = 	snop  }
0x90: {  	s2 =	sld [smem:$0x3FD0];
	_ =	sdelay $0x2  }
0x91: {  	s4 =	simm.s32 $0xA;
	s5 =	simm.s32 $0x10;
	s15 =	sld [smem:$0x3FC8]  }
0x92: {  	[smem:s5], [sflag:s4] =	dma.local [hbm:s2], $0x1  }
0x93: {  	_ =	swait.eq [sflag:s4], $0x1  }
0x94: {  	[sflag:s4] =	ssyncset.done $0x0  }
0x95: {  	s16 =	sld [smem:$0x10];
	[sflag:s4] =	ssyncadd.s32 $0xFFFFFFFF  }
0x96: {  	s17 =	sld [smem:$0x11];
	(tm) =	ssettm $0x1  }
0x97: {  	s18 =	sld [smem:$0x3FFB];
	_ =	sdelay $0x3  }
0x98: {  	_ =	strace s18  }
0x99: {  	s5 =	sld [smem:$0x3FFC];
	_ =	sdelay $0x3  }
0x9a: {  	_ =	strace s5  }
0x9b: {  	s5 =	sld [smem:$0x3FFD];
	_ =	sdelay $0x3  }
0x9c: {  	_ =	strace s5  }
0x9d: {  	_ =	strace $0x8FFFFFFF  }
0x9e: {  	s19 =	sld [smem:$0x3FDB];
	_ =	sdelay $0x1  }
0x9f: {  	s6 =	simm.s32 $_scs_section_size  }
0xa0: {  	s7 =	simm.s32 $_size__tile_overlayer_lowered;
	s8 =	simm.s32 $_tile_overlayer_lowered  }
0xa1: {  	s22 =	simm.s32 $0x1BFF;
	s21 =	sshll.u32 s8, $0x1;
	s5 =	sadd.s32 s6, s19  }
0xa2: {  	s9 =	simm.s32 $0x0;
	s20 =	sshll.u32 s7, $0x1;
	s7 =	sadd.s32 s21, s5  }
0xa3: {  	[timem:s9], [sflag:s22] =	dma.local [hbm:s7], s20  }
0xa4: {  	_ =	swait.ge [sflag:s22], s20  }
0xa5: {  	s6 =	ssub.s32 $0x0, s20;
	[sflag:s22] =	ssyncset.done $0x0  }
0xa6: {  	[sflag:s22] =	ssyncadd.s32 s6;
	_ =	sdelay $0x1  }
0xa7: {  	s23 =	simm.s32 $0x1B8B  }
0xa8: {  	_ =	swait.ge [sflag:s23], $0x1  }
0xa9: {  	[sflag:s23] =	ssyncset.done $0x0  }
0xaa: {  	s25 =	simm.s32 $0x1B8E;
	s24 =	sld [smem:$0x3FFE];
	[sflag:s23] =	ssyncadd.s32 $0xFFFFFFFF  }
0xab: {  	s26 =	simm.s32 $execute0_lowered;
	[smem:$0x3FD2] =	sst s25  }
0xac: {  	s7 =	sshll.u32 s26, $0x1;
	_ =	strace $0x80000046;
	[dreg:$0x1] =	wrdreg $0xFFFFFFFF  }
0xad: {  	s28 =	simm.s32 $_size_execute0_lowered;
	s5 =	sadd.s32 s5, s7;
	[dreg:$0x0] =	wrdreg $0x0  }
0xae: {  	s7 =	sshll.u32 s28, $0x1;
	[dreg:$0x2] =	wrdreg s5  }
0xaf: {  	[dreg:$0x3] =	wrdreg s7  }
0xb0: {  	[dreg:$0x4] =	wrdreg $0xC0  }
0xb1: {  	_ =	task [dreg:s9], $0x5FFFF  }
0xb2: {  	[dreg:$0x1] =	wrdreg $0xFFFFFFFF  }
0xb3: {  	[dreg:$0x0] =	wrdreg $0x60  }
0xb4: {  	[dreg:$0x2] =	wrdreg s24  }
0xb5: {  	[dreg:$0x3] =	wrdreg s15  }
0xb6: {  	[dreg:$0x4] =	wrdreg s16  }
0xb7: {  	[dreg:$0x5] =	wrdreg s17  }
0xb8: {  	[dreg:$0x6] =	wrdreg $0x46000  }
0xb9: {  	[dreg:$0x7] =	wrdreg $0x9  }
0xba: {  	_ =	task.clear_ibuf [dreg:s9], $0x8FFFF;
	_ =	strace $0x90000046  }
0xbb: {  	s29 =	simm.s32 $0x9;
	_ =	strace $0x80000048  }
0xbc: {  	_ =	swait.ge [sflag:s29], $0x1  }
0xbd: {  	[sflag:s29] =	ssyncadd.s32 $0xFFFFFFFF  }
0xbe: {  	_ =	strace $0x90000048  }
0xbf: {  	_ =	sfence  }
0xc0: {  	s30 =	sld [smem:$0x0];
	_ =	sdelay $0x2  }
0xc1: {  	s31 =	sshll.u32 s1, $0xD;
	s1 =	sshrl.u32 s1, $0x2  }
0xc2: {  	s3 =	sand.u32 $0x4000, s31;
	s1 =	sadd.s32 s1, s30  }
0xc3: {  	s0 =	sor.u32 s3, s0;
	s1 =	sshll.u32 s1, $0x11  }
0xc4: {  	s0 =	sor.u32 s1, s0  }
0xc5: {  	s0 =	sadd.s32 $0x8F2B, s0  }
0xc6: {  	[sflag:s0] =	ssyncadd.remote.s32 $0x1  }
0xc7: {  	_ =	sfence.sel $0xFFFF  }
0xc8: {  	[dreg:$0x0] =	wrdreg $0xFFFFFFFF;
	(pc) =	sbr.abs _section_cstart, $3  }
0xc9: {  	[dreg:$0x1] =	wrdreg $0xFFFFFFFF  }
0xca: {  	_ =	task.clear_ibuf [dreg:s9], $0x2FFFF;
	_ =	strace $0x9FFFFFFF  }
0xcb: {  	(tm) =	ssettm $0x7FFFFFFF  }
tec
execute0_lowered:
.L_overlay_start_1:
0x0: {  	(tag) =	ssettag $0x1  }
0x1: {  	s7 =	rddreg [dreg:$0x0]  }
0x2: {  	s8 =	rddreg [dreg:$0x1]  }
0x3: {  	s12 =	rddreg [dreg:$0x2]  }
0x4: {  	s11 =	rddreg [dreg:$0x3]  }
0x5: {  	s2 =	rddreg [dreg:$0x4];
	s1 =	simm.s32 $0x0  }
0x6: {  	v0 =	vimm.f32 $0.0e+00;
	[smem:$0x7FF] =	sst s1  }
0x7: {  	s0 =	rddreg [dreg:$0x5];
	_ =	strace $0x80000047;
	[tilespmem:$0x4400] =	vst v0  }
0x8: {  	[tilespmem:$0x45F0] =	vst v0  }
0x9: {  	[tilespmem:$0x45E0] =	vst v0  }
0xa: {  	[tilespmem:$0x45D0] =	vst v0  }
0xb: {  	[tilespmem:$0x45C0] =	vst v0  }
0xc: {  	[tilespmem:$0x45B0] =	vst v0  }
0xd: {  	[tilespmem:$0x45A0] =	vst v0  }
0xe: {  	[tilespmem:$0x4590] =	vst v0  }
0xf: {  	[tilespmem:$0x4580] =	vst v0  }
0x10: {  	[tilespmem:$0x4570] =	vst v0  }
0x11: {  	[tilespmem:$0x4560] =	vst v0  }
0x12: {  	[tilespmem:$0x4550] =	vst v0  }
0x13: {  	[tilespmem:$0x4540] =	vst v0  }
0x14: {  	[tilespmem:$0x4530] =	vst v0  }
0x15: {  	[tilespmem:$0x4520] =	vst v0  }
0x16: {  	[tilespmem:$0x4510] =	vst v0  }
0x17: {  	[tilespmem:$0x4500] =	vst v0  }
0x18: {  	[tilespmem:$0x44F0] =	vst v0  }
0x19: {  	[tilespmem:$0x44E0] =	vst v0  }
0x1a: {  	[tilespmem:$0x44D0] =	vst v0  }
0x1b: {  	[tilespmem:$0x44C0] =	vst v0  }
0x1c: {  	[tilespmem:$0x44B0] =	vst v0  }
0x1d: {  	[tilespmem:$0x44A0] =	vst v0  }
0x1e: {  	[tilespmem:$0x4490] =	vst v0  }
0x1f: {  	[tilespmem:$0x4480] =	vst v0  }
0x20: {  	[tilespmem:$0x4470] =	vst v0  }
0x21: {  	[tilespmem:$0x4460] =	vst v0  }
0x22: {  	[tilespmem:$0x4450] =	vst v0  }
0x23: {  	[tilespmem:$0x4440] =	vst v0  }
0x24: {  	s4 =	srdreg.scid;
	s3 =	stileid.u32;
	s5 =	simm.s32 $0x4400;
	[tilespmem:$0x4430] =	vst v0  }
0x25: {  	s13 =	sand.u32 $0x1, s4;
	s9 =	sshll.u32 s3, $0xA;
	s14 =	sshll.u32 s3, $0x9;
	[tilespmem:$0x4420] =	vst v0  }
0x26: {  	s4 =	simm.s32 $0x2;
	s10 =	sshll.u32 s13, $0x9;
	s6 =	sadd.s32 s14, s2;
	[tilespmem:$0x4410] =	vst v0  }
0x27: {  	[spmem:s6] =	stream.linear.scatter [tilespmem:s5], [sflag:$0x2], $0x200, $0x38;
	[tilespmem:$0x4800] =	vst v63  }
0x28: {  	s15 =	sor.u32 s10, s9;
	_ =	swait.ge [sflag:s4], $0x200  }
0x29: {  	s9 =	sshrl.u32 s15, $0x3;
	[sflag:s4] =	ssyncset.done $0x0  }
0x2a: {  	s8 =	sadd.s32 s8, s9;
	[sflag:s4] =	ssyncadd.s32 $0xFFFFFE00  }
0x2b: {  	[tilespmem:s1], [sflag:$0x2] =	stream.linear.gather [hbm4b:s8+s1], $0x200, $0x38;
	[tilespmem:$0x4800] =	vst v63  }
0x2c: {  	_ =	swait.ge [sflag:s4], $0x200  }
0x2d: {  	s10 =	simm.s32 $0x1;
	[sflag:s4] =	ssyncset.done $0x0  }
0x2e: {  	s9 =	sadd.s32 $0x800, s7;
	s7 =	simm.s32 $0x200;
	[sflag:s4] =	ssyncadd.s32 $0xFFFFFE00  }
0x2f: {  	[tilespmem:s7], [sflag:$0x1] =	stream.indirect.gather [hbm4b:s9+s7], $0x20, s1, s7, $0xb8;
	[tilespmem:$0x4800] =	vst v63  }
0x30: {  	_ =	swait.ge [sflag:s10], $0x4000  }
0x31: {  	s15 =	sshll.u32 s15, $0x2;
	[sflag:s10] =	ssyncset.done $0x0  }
0x32: {  	s12 =	sadd.s32 s12, s15;
	[sflag:s10] =	ssyncadd.s32 $0xFFFFC000  }
0x33: {  	[hbm4b:s12+s1] =	stream.linear.scatter [tilespmem:s7], [sflag:$0x2], $0x4000, $0x38;
	[tilespmem:$0x4800] =	vst v63  }
0x34: {  	_ =	swait.ge [sflag:s4], $0x4000  }
0x35: {  	[sflag:s4] =	ssyncset.done $0x0  }
0x36: {  	v1 =	vimm.f32 $1.000000000e+00;
	[sflag:s4] =	ssyncadd.s32 $0xFFFFC000  }
0x37: {  	[tilespmem:$0x43F0] =	vst v1  }
0x38: {  	[tilespmem:$0x43E0] =	vst v1  }
0x39: {  	[tilespmem:$0x43D0] =	vst v1  }
0x3a: {  	[tilespmem:$0x43C0] =	vst v1  }
0x3b: {  	s30 =	ssub.s32 $0x2, s13;
	[tilespmem:$0x43B0] =	vst v1  }
0x3c: {  	s16 =	sshrl.u32 s30, $0x1;
	[tilespmem:$0x43A0] =	vst v1  }
0x3d: {  	s15 =	ssub.s32 s30, s16;
	[tilespmem:$0x4390] =	vst v1  }
0x3e: {  	s31 =	smax.u32 s15, $0x1;
	[tilespmem:$0x4380] =	vst v1  }
0x3f: {  	p0 =	sne.s32 s31, $0x1;
	[tilespmem:$0x4370] =	vst v1  }
.Ltmp0:
0x40: {  	[tilespmem:$0x4360] =	vst v1;
	(pc) =	sbr.rel @!p0 .LBB2_2-.Ltmp0, $4  }
0x41: {  	s13 =	sshll.u32 s13, $0xD;
	[tilespmem:$0x4350] =	vst v1  }
0x42: {  	s13 =	sor.u32 s14, s13;
	[tilespmem:$0x4340] =	vst v1  }
0x43: {  	s13 =	sshrl.u32 s13, $0x3;
	[tilespmem:$0x4330] =	vst v1  }
0x44: {  	s11 =	sadd.s32 s11, s13;
	s13 =	simm.s32 $0x4200;
	s14 =	sadd.s32 $0xFFFFFFFF, s31;
	[tilespmem:$0x4320] =	vst v1  }
.LBB2_1:
0x45: {  	p0 =	sne.s32 s14, $0x1;
	s14 =	sadd.s32 $0xFFFFFFFF, s14;
	[tilespmem:$0x4310] =	vst v1  }
0x46: {  	[tilespmem:$0x4300] =	vst v1  }
0x47: {  	[tilespmem:$0x42F0] =	vst v1  }
0x48: {  	[tilespmem:$0x42E0] =	vst v1  }
0x49: {  	[tilespmem:$0x42D0] =	vst v1  }
0x4a: {  	[tilespmem:$0x42C0] =	vst v1  }
0x4b: {  	[tilespmem:$0x42B0] =	vst v1  }
0x4c: {  	[tilespmem:$0x42A0] =	vst v1  }
0x4d: {  	[tilespmem:$0x4290] =	vst v1  }
0x4e: {  	[tilespmem:$0x4280] =	vst v1  }
0x4f: {  	[tilespmem:$0x4270] =	vst v1  }
0x50: {  	[tilespmem:$0x4260] =	vst v1  }
0x51: {  	[tilespmem:$0x4250] =	vst v1  }
0x52: {  	[tilespmem:$0x4240] =	vst v1  }
0x53: {  	[tilespmem:$0x4230] =	vst v1  }
0x54: {  	[tilespmem:$0x4220] =	vst v1  }
0x55: {  	[tilespmem:$0x4210] =	vst v1  }
0x56: {  	[tilespmem:$0x4200] =	vst v1  }
0x57: {  	[bflag:$0x0] =	sbarrier.arrive $0xFFFF  }
0x58: {  	[spmem:s2] =	stream.indirect.scatter.add.f32 [tilespmem:s13], [sflag:$0x2], $0x1, s1, s7, $0xb8;
	[tilespmem:$0x4800] =	vst v63  }
0x59: {  	_ =	swait.ge [sflag:s4], $0x200  }
0x5a: {  	[sflag:s4] =	ssyncset.done $0x0  }
0x5b: {  	[sflag:s4] =	ssyncadd.s32 $0xFFFFFE00  }
0x5c: {  	[bflag:$0x0] =	sbarrier.arrive $0xFFFF  }
0x5d: {  	[tilespmem:s5], [sflag:$0x2] =	stream.linear.gather [spmem:s6], $0x200, $0x38;
	[tilespmem:$0x4800] =	vst v63  }
0x5e: {  	_ =	swait.ge [sflag:s4], $0x200  }
0x5f: {  	[sflag:s4] =	ssyncset.done $0x0  }
0x60: {  	[sflag:s4] =	ssyncadd.s32 $0xFFFFFE00  }
0x61: {  	[hbm4b:s11+s1] =	stream.linear.scatter [tilespmem:s5], [sflag:$0x2], $0x200, $0x38;
	[tilespmem:$0x4800] =	vst v63  }
0x62: {  	_ =	swait.ge [sflag:s4], $0x200  }
0x63: {  	[sflag:s4] =	ssyncset.done $0x0  }
0x64: {  	[sflag:s4] =	ssyncadd.s32 $0xFFFFFE00  }
0x65: {  	[tilespmem:$0x4400] =	vst v0  }
0x66: {  	[tilespmem:$0x45F0] =	vst v0  }
0x67: {  	[tilespmem:$0x45E0] =	vst v0  }
0x68: {  	[tilespmem:$0x45D0] =	vst v0  }
0x69: {  	[tilespmem:$0x45C0] =	vst v0  }
0x6a: {  	[tilespmem:$0x45B0] =	vst v0  }
0x6b: {  	[tilespmem:$0x45A0] =	vst v0  }
0x6c: {  	[tilespmem:$0x4590] =	vst v0  }
0x6d: {  	[tilespmem:$0x4580] =	vst v0  }
0x6e: {  	[tilespmem:$0x4570] =	vst v0  }
0x6f: {  	[tilespmem:$0x4560] =	vst v0  }
0x70: {  	[tilespmem:$0x4550] =	vst v0  }
0x71: {  	[tilespmem:$0x4540] =	vst v0  }
0x72: {  	[tilespmem:$0x4530] =	vst v0  }
0x73: {  	[tilespmem:$0x4520] =	vst v0  }
0x74: {  	[tilespmem:$0x4510] =	vst v0  }
0x75: {  	[tilespmem:$0x4500] =	vst v0  }
0x76: {  	[tilespmem:$0x44F0] =	vst v0  }
0x77: {  	[tilespmem:$0x44E0] =	vst v0  }
0x78: {  	[tilespmem:$0x44D0] =	vst v0  }
0x79: {  	[tilespmem:$0x44C0] =	vst v0  }
0x7a: {  	[tilespmem:$0x44B0] =	vst v0  }
0x7b: {  	[tilespmem:$0x44A0] =	vst v0  }
0x7c: {  	[tilespmem:$0x4490] =	vst v0  }
0x7d: {  	[tilespmem:$0x4480] =	vst v0  }
0x7e: {  	[tilespmem:$0x4470] =	vst v0  }
0x7f: {  	[tilespmem:$0x4460] =	vst v0  }
0x80: {  	[tilespmem:$0x4450] =	vst v0  }
0x81: {  	[tilespmem:$0x4440] =	vst v0  }
0x82: {  	[tilespmem:$0x4430] =	vst v0  }
0x83: {  	[tilespmem:$0x4420] =	vst v0  }
0x84: {  	[tilespmem:$0x4410] =	vst v0  }
0x85: {  	[spmem:s6] =	stream.linear.scatter [tilespmem:s5], [sflag:$0x2], $0x200, $0x38;
	[tilespmem:$0x4800] =	vst v63  }
0x86: {  	_ =	swait.ge [sflag:s4], $0x200  }
0x87: {  	[sflag:s4] =	ssyncset.done $0x0  }
0x88: {  	[sflag:s4] =	ssyncadd.s32 $0xFFFFFE00  }
0x89: {  	[tilespmem:s1], [sflag:$0x2] =	stream.linear.gather [hbm4b:s8+s1], $0x200, $0x38;
	[tilespmem:$0x4800] =	vst v63  }
0x8a: {  	_ =	swait.ge [sflag:s4], $0x200  }
0x8b: {  	[sflag:s4] =	ssyncset.done $0x0  }
0x8c: {  	[sflag:s4] =	ssyncadd.s32 $0xFFFFFE00  }
0x8d: {  	[tilespmem:s7], [sflag:$0x1] =	stream.indirect.gather [hbm4b:s9+s7], $0x20, s1, s7, $0xb8;
	[tilespmem:$0x4800] =	vst v63  }
0x8e: {  	_ =	swait.ge [sflag:s10], $0x4000  }
0x8f: {  	[sflag:s10] =	ssyncset.done $0x0  }
0x90: {  	[sflag:s10] =	ssyncadd.s32 $0xFFFFC000  }
0x91: {  	[hbm4b:s12+s1] =	stream.linear.scatter [tilespmem:s7], [sflag:$0x2], $0x4000, $0x38;
	[tilespmem:$0x4800] =	vst v63  }
0x92: {  	_ =	swait.ge [sflag:s4], $0x4000  }
0x93: {  	[sflag:s4] =	ssyncset.done $0x0  }
0x94: {  	[sflag:s4] =	ssyncadd.s32 $0xFFFFC000  }
0x95: {  	[tilespmem:$0x43F0] =	vst v1  }
0x96: {  	[tilespmem:$0x43E0] =	vst v1  }
0x97: {  	[tilespmem:$0x43D0] =	vst v1  }
0x98: {  	[tilespmem:$0x43C0] =	vst v1  }
0x99: {  	[tilespmem:$0x43B0] =	vst v1  }
0x9a: {  	[tilespmem:$0x43A0] =	vst v1  }
0x9b: {  	[tilespmem:$0x4390] =	vst v1  }
0x9c: {  	[tilespmem:$0x4380] =	vst v1  }
0x9d: {  	[tilespmem:$0x4370] =	vst v1  }
.Ltmp1:
0x9e: {  	[tilespmem:$0x4360] =	vst v1;
	(pc) =	sbr.rel @p0 .LBB2_1-.Ltmp1, $4  }
0x9f: {  	[tilespmem:$0x4350] =	vst v1  }
0xa0: {  	[tilespmem:$0x4340] =	vst v1  }
0xa1: {  	[tilespmem:$0x4330] =	vst v1  }
0xa2: {  	[tilespmem:$0x4320] =	vst v1  }
.LBB2_2:
0xa3: {  	[tilespmem:$0x4310] =	vst v1  }
0xa4: {  	[tilespmem:$0x4300] =	vst v1  }
0xa5: {  	[tilespmem:$0x42F0] =	vst v1  }
0xa6: {  	[tilespmem:$0x42E0] =	vst v1  }
0xa7: {  	[tilespmem:$0x42D0] =	vst v1  }
0xa8: {  	[tilespmem:$0x42C0] =	vst v1  }
0xa9: {  	[tilespmem:$0x42B0] =	vst v1  }
0xaa: {  	[tilespmem:$0x42A0] =	vst v1  }
0xab: {  	[tilespmem:$0x4290] =	vst v1  }
0xac: {  	[tilespmem:$0x4280] =	vst v1  }
0xad: {  	[tilespmem:$0x4270] =	vst v1  }
0xae: {  	[tilespmem:$0x4260] =	vst v1  }
0xaf: {  	[tilespmem:$0x4250] =	vst v1  }
0xb0: {  	[tilespmem:$0x4240] =	vst v1  }
0xb1: {  	[tilespmem:$0x4230] =	vst v1  }
0xb2: {  	[tilespmem:$0x4220] =	vst v1  }
0xb3: {  	[tilespmem:$0x4210] =	vst v1  }
0xb4: {  	[tilespmem:$0x4200] =	vst v1  }
0xb5: {  	[bflag:$0x0] =	sbarrier.arrive $0xFFFF  }
0xb6: {  	[spmem:s2] =	stream.indirect.scatter.add.f32 [tilespmem:s13], [sflag:$0x2], $0x1, s1, s7, $0xb8;
	[tilespmem:$0x4800] =	vst v63  }
0xb7: {  	_ =	swait.ge [sflag:s4], $0x200  }
0xb8: {  	[sflag:s4] =	ssyncset.done $0x0  }
0xb9: {  	[sflag:s4] =	ssyncadd.s32 $0xFFFFFE00  }
0xba: {  	[bflag:$0x0] =	sbarrier.arrive $0xFFFF  }
0xbb: {  	[tilespmem:s5], [sflag:$0x2] =	stream.linear.gather [spmem:s6], $0x200, $0x38;
	[tilespmem:$0x4800] =	vst v63  }
0xbc: {  	_ =	swait.ge [sflag:s4], $0x200  }
0xbd: {  	[sflag:s4] =	ssyncset.done $0x0  }
0xbe: {  	[sflag:s4] =	ssyncadd.s32 $0xFFFFFE00  }
0xbf: {  	[hbm4b:s11+s1] =	stream.linear.scatter [tilespmem:s5], [sflag:$0x2], $0x200, $0x38;
	[tilespmem:$0x4800] =	vst v63  }
0xc0: {  	_ =	swait.ge [sflag:s4], $0x200  }
0xc1: {  	[sflag:s4] =	ssyncset.done $0x0  }
0xc2: {  	[sflag:s4] =	ssyncadd.s32 $0xFFFFFE00  }
0xc3: {  	_ =	sfence.sel $0x180000  }
0xc4: {  	[bflag:$0x0] =	sbarrier.arrive $0xFFFF  }
0xc5: {  	p0 =	sne.s32 s3, $0x0;
	_ =	strace $0x90000047  }
0xc6: {  	s0 =	sadd.s32 @!p0 $0x100000, s0;
	[bflag:$0x2] =	sbarrier.arrive $0xFFFF  }
0xc7: {  	[sflag:s0] =	ssyncadd.tile.s32 @!p0 $0x1;
	_ =	shalt  }
.Lfunc_end2:
_tile_overlayer_lowered:
.L_overlay_start_2:
0xc8: {  	(tag) =	ssettag $0x2  }
0xc9: {  	s0 =	rddreg [dreg:$0x0];
	s2 =	stileid.u32  }
0xca: {  	s1 =	rddreg [dreg:$0x1];
	p0 =	sne.s32 s2, $0x0  }
0xcb: {  	s3 =	rddreg [dreg:$0x2];
	[bflag:$0x3] =	sbarrier.arrive $0xFFFF;
	s2 =	simm.s32 @!p0 $0x1C02  }
0xcc: {  	[timem:s3], [sflag:s2] =	dma.local @!p0 [hbm:s0], s1  }
0xcd: {  	s0 =	simm.s32 @!p0 $0x2  }
0xce: {  	_ =	swait.ge @!p0 [sflag:s0], s1  }
0xcf: {  	s1 =	ssub.s32 @!p0 $0x0, s1;
	[sflag:s0] =	ssyncset.done @!p0 $0x0  }
0xd0: {  	[sflag:s0] =	ssyncadd.s32 @!p0 s1  }
0xd1: {  	[bflag:$0x3] =	sbarrier.arrive $0xFFFF  }
0xd2: {  	_ =	shalt  }

</sc_bundles>
